<compile_context>
chip_gen: v7x
topology: tpu7x:2x2x1
jax: 0.10.2.dev20260603
libtpu: 0.0.44.dev20260713+nightly
codegen_flags: <defaults>
</compile_context>

<pallas_src>
import functools

import jax
import jax.numpy as jnp
from jax import lax
from jax.experimental import pallas as pl
from jax.experimental.pallas import tpu as pltpu
from jax.experimental.pallas import tpu_sc as plsc

D = 64
DP = 128
BATCH = 4096
SEQ = 50
SEQ_P = 56
NC = 2
NS = 16
NW = NC * NS
ROWS_PER_TILE = BATCH // NW
IDX_BLOCK = ROWS_PER_TILE * SEQ_P
NBUF = 8
NGROUPS = ROWS_PER_TILE // NBUF

_mesh = plsc.VectorSubcoreMesh(core_axis_name="c", subcore_axis_name="s")


@functools.partial(
    pl.kernel,
    mesh=_mesh,
    out_type=jax.ShapeDtypeStruct((BATCH, SEQ_P, DP), jnp.float32),
    scratch_types=[
        pltpu.VMEM((IDX_BLOCK,), jnp.int32),
        pltpu.VMEM((NBUF, SEQ, D), jnp.float32),
        pltpu.SemaphoreType.DMA((NBUF,)),
        pltpu.SemaphoreType.DMA((NBUF,)),
    ],
    compiler_params=pltpu.CompilerParams(use_tc_tiling_on_sc=False),
)
def _gather(idx_hbm, table_hbm, out_hbm, idx_v, rows_v, sem_g, sem_o):
    wid = lax.axis_index("s") * NC + lax.axis_index("c")
    base = wid * ROWS_PER_TILE
    pltpu.sync_copy(idx_hbm.at[wid], idx_v)

    def group(g, carry):
        j0 = g * NBUF
        gathers = []
        for b in range(NBUF):
            @pl.when(g > 0)
            def _reclaim(b=b):
                pltpu.make_async_copy(
                    rows_v.at[b],
                    out_hbm.at[base, pl.ds(0, SEQ), pl.ds(0, D)],
                    sem_o.at[b],
                ).wait()

            gathers.append(
                pltpu.async_copy(
                    table_hbm.at[idx_v.at[pl.ds((j0 + b) * SEQ_P, SEQ)]],
                    rows_v.at[b],
                    sem_g.at[b],
                )
            )
        for b in range(NBUF):
            gathers[b].wait()
            pltpu.async_copy(
                rows_v.at[b],
                out_hbm.at[base + j0 + b, pl.ds(0, SEQ), pl.ds(0, D)],
                sem_o.at[b],
            )
        return carry

    lax.fori_loop(0, NGROUPS, group, 0)

    for b in range(NBUF):
        pltpu.make_async_copy(
            rows_v.at[b],
            out_hbm.at[base, pl.ds(0, SEQ), pl.ds(0, D)],
            sem_o.at[b],
        ).wait()


def kernel(inputs, embedding):
    idx = jnp.pad(inputs, ((0, 0), (0, SEQ_P - SEQ)))
    idx = idx.reshape(NW, IDX_BLOCK)
    out = _gather(idx, embedding)
    return lax.slice(out, (0, 0, 0), (BATCH, SEQ, D))

# --- scband reference (transcript-rebuilt; emitter-appended) ---
"""Pipeline reference for scband-embedding-layer-82626580840883 (READ-ONLY COPY).

The authoritative reference and input builder live on the scoring server;
editing this copy changes nothing except your own understanding.
"""

import jax, jax.numpy as jnp
import numpy as np

VOCAB_SIZE = 100000
NUM_UNITS = 64
BATCH = 4096
SEQ_LEN = 50

def setup_inputs(seed: int = 0) -> dict:
    key = jax.random.key(seed)
    k_idx, k_emb = jax.random.split(key)
    inputs = jax.random.randint(k_idx, (BATCH, SEQ_LEN), 0, VOCAB_SIZE, dtype=jnp.int32)
    embedding = jax.random.normal(k_emb, (VOCAB_SIZE, NUM_UNITS), dtype=jnp.float32) * 0.02
    return {"inputs": inputs, "embedding": embedding}

def reference(inputs, embedding):
    # tf.nn.embedding_lookup(params=self.embedding, ids=inputs)
    # -> gather rows of the embedding table: [B, L] -> [B, L, num_units]
    embedded = jnp.take(embedding, inputs, axis=0)
    return embedded

if __name__ == "__main__":
    import jax
    _d = setup_inputs()
    print(jax.jit(kernel)(*tuple(_d.values())))

</pallas_src>

<mosaic_0001>
#map = affine_map<(d0, d1) -> (0, 0)>
#map1 = affine_map<(d0, d1) -> (0, 0, 0)>
module attributes {stable_mosaic.version = 14 : i64} {
  func.func @_gather(%arg0: i32, %arg1: i32, %arg2: memref<32x7168xi32, #tpu.memory_space<hbm>>, %arg3: memref<100000x64xf32, #tpu.memory_space<hbm>>, %arg4: memref<4096x56x128xf32, #tpu.memory_space<hbm>>, %arg5: memref<7168xi32, #tpu.memory_space<vmem>>, %arg6: memref<8x50x64xf32, #tpu.memory_space<vmem>>, %arg7: memref<8x!tpu.dma_semaphore, #tpu.memory_space<semaphore_mem>>, %arg8: memref<8x!tpu.dma_semaphore, #tpu.memory_space<semaphore_mem>>) attributes {dimension_semantics = [#tpu.dimension_semantics<core_parallel>, #tpu.dimension_semantics<subcore_parallel>], iteration_bounds = array<i64: 2, 16>, scalar_prefetch = 0 : i64, scratch_operands = 4 : i64, tpu.core_type = #tpu.core_type<sc_vector_subcore>, window_params = [{transform_indices = #map}, {transform_indices = #map}, {transform_indices = #map1}]} {
    %mul3A = arith.constant 2 : i32
    %mul3A_0 = arith.muli %arg1, %mul3A : i32
    %add3A = arith.addi %mul3A_0, %arg0 : i32
    %mul3A_1 = arith.constant 128 : i32
    %mul3A_2 = arith.muli %add3A, %mul3A_1 : i32
    "tpu.region"() ({
      %run_scoped3A = tpu.sem_alloc : memref<!tpu.dma_semaphore, #tpu.memory_space<semaphore_mem>>
      %dma_start3A = arith.constant 0 : i32
      %dma_start3A_167 = tpu.memref_slice %arg2[%add3A, %dma_start3A] : memref<32x7168xi32, #tpu.memory_space<hbm>> -> memref<1x7168xi32, #tpu.memory_space<hbm>>
      %dma_start3A_168 = tpu.memref_squeeze %dma_start3A_167 : memref<1x7168xi32, #tpu.memory_space<hbm>> -> memref<7168xi32, #tpu.memory_space<hbm>>
      %dma_start3A_169 = arith.constant 0 : i32
      %dma_start3A_170 = tpu.memref_slice %arg2[%add3A, %dma_start3A_169] : memref<32x7168xi32, #tpu.memory_space<hbm>> -> memref<1x7168xi32, #tpu.memory_space<hbm>>
      %dma_start3A_171 = tpu.memref_squeeze %dma_start3A_170 : memref<1x7168xi32, #tpu.memory_space<hbm>> -> memref<7168xi32, #tpu.memory_space<hbm>>
      tpu.enqueue_dma source(%dma_start3A_171 : memref<7168xi32, #tpu.memory_space<hbm>>) target(%arg5 : memref<7168xi32, #tpu.memory_space<vmem>>) target_semaphore(%run_scoped3A : memref<!tpu.dma_semaphore, #tpu.memory_space<semaphore_mem>>)
      %dma_wait3A_172 = arith.constant 0 : i32
      %dma_wait3A_173 = tpu.memref_slice %arg2[%add3A, %dma_wait3A_172] : memref<32x7168xi32, #tpu.memory_space<hbm>> -> memref<1x7168xi32, #tpu.memory_space<hbm>>
      %dma_wait3A_174 = tpu.memref_squeeze %dma_wait3A_173 : memref<1x7168xi32, #tpu.memory_space<hbm>> -> memref<7168xi32, #tpu.memory_space<hbm>>
      %dma_wait3A_175 = arith.constant 0 : i32
      %dma_wait3A_176 = tpu.memref_slice %arg2[%add3A, %dma_wait3A_175] : memref<32x7168xi32, #tpu.memory_space<hbm>> -> memref<1x7168xi32, #tpu.memory_space<hbm>>
      %dma_wait3A_177 = tpu.memref_squeeze %dma_wait3A_176 : memref<1x7168xi32, #tpu.memory_space<hbm>> -> memref<7168xi32, #tpu.memory_space<hbm>>
      tpu.wait_dma2 semaphore(%run_scoped3A : memref<!tpu.dma_semaphore, #tpu.memory_space<semaphore_mem>>) src(%dma_wait3A_177 : memref<7168xi32, #tpu.memory_space<hbm>>) dst(%arg5 : memref<7168xi32, #tpu.memory_space<vmem>>)
      tpu.yield
    }) : () -> ()
    %scan3A = arith.constant 0 : i32
    %scan3A_3 = arith.constant 0 : i32
    %scan3A_4 = arith.constant 16 : i32
    %scan3A_5 = arith.addi %scan3A_3, %scan3A_4 : i32
    %scan3A_6 = arith.constant 1 : i32
    scf.for %scan3A_167 = %scan3A_3 to %scan3A_5 step %scan3A_6  : i32 {
      %mul3A_168 = arith.constant 8 : i32
      %mul3A_169 = arith.muli %scan3A_167, %mul3A_168 : i32
      %gt3A = arith.constant 0 : i32
      %gt3A_170 = arith.cmpi sgt, %scan3A_167, %gt3A : i32
      %convert_element_type3A = arith.extui %gt3A_170 : i1 to i32
      %cond3A = arith.constant 0 : i32
      %cond3A_171 = arith.cmpi ne, %convert_element_type3A, %cond3A : i32
      scf.if %cond3A_171 {
        %dma_wait3A_614 = arith.constant 0 : i32
        %dma_wait3A_615 = arith.constant 0 : i32
        %dma_wait3A_616 = arith.constant 0 : i32
        %dma_wait3A_617 = arith.constant 0 : i32
        %dma_wait3A_618 = tpu.memref_slice %arg6[%dma_wait3A_614, %dma_wait3A_616, %dma_wait3A_617] : memref<8x50x64xf32, #tpu.memory_space<vmem>> -> memref<1x50x64xf32, #tpu.memory_space<vmem>>
        %dma_wait3A_619 = tpu.memref_squeeze %dma_wait3A_618 : memref<1x50x64xf32, #tpu.memory_space<vmem>> -> memref<50x64xf32, #tpu.memory_space<vmem>>
        %dma_wait3A_620 = arith.constant 0 : i32
        %dma_wait3A_621 = arith.constant 0 : i32
        %dma_wait3A_622 = tpu.memref_slice %arg4[%mul3A_2, %dma_wait3A_620, %dma_wait3A_621] : memref<4096x56x128xf32, #tpu.memory_space<hbm>> -> memref<1x50x64xf32, #tpu.memory_space<hbm>>
        %dma_wait3A_623 = tpu.memref_squeeze %dma_wait3A_622 : memref<1x50x64xf32, #tpu.memory_space<hbm>> -> memref<50x64xf32, #tpu.memory_space<hbm>>
        %dma_wait3A_624 = tpu.memref_slice %arg8[%dma_wait3A_615] : memref<8x!tpu.dma_semaphore, #tpu.memory_space<semaphore_mem>> -> memref<1x!tpu.dma_semaphore, #tpu.memory_space<semaphore_mem>>
        %dma_wait3A_625 = tpu.memref_squeeze %dma_wait3A_624 : memref<1x!tpu.dma_semaphore, #tpu.memory_space<semaphore_mem>> -> memref<!tpu.dma_semaphore, #tpu.memory_space<semaphore_mem>>
        %dma_wait3A_626 = arith.constant 0 : i32
        %dma_wait3A_627 = arith.constant 0 : i32
        %dma_wait3A_628 = tpu.memref_slice %arg4[%mul3A_2, %dma_wait3A_626, %dma_wait3A_627] : memref<4096x56x128xf32, #tpu.memory_space<hbm>> -> memref<1x50x64xf32, #tpu.memory_space<hbm>>
        %dma_wait3A_629 = tpu.memref_squeeze %dma_wait3A_628 : memref<1x50x64xf32, #tpu.memory_space<hbm>> -> memref<50x64xf32, #tpu.memory_space<hbm>>
        %dma_wait3A_630 = arith.constant 0 : i32
        %dma_wait3A_631 = arith.constant 0 : i32
        %dma_wait3A_632 = tpu.memref_slice %arg6[%dma_wait3A_614, %dma_wait3A_630, %dma_wait3A_631] : memref<8x50x64xf32, #tpu.memory_space<vmem>> -> memref<1x50x64xf32, #tpu.memory_space<vmem>>
        %dma_wait3A_633 = tpu.memref_squeeze %dma_wait3A_632 : memref<1x50x64xf32, #tpu.memory_space<vmem>> -> memref<50x64xf32, #tpu.memory_space<vmem>>
        tpu.wait_dma2 semaphore(%dma_wait3A_625 : memref<!tpu.dma_semaphore, #tpu.memory_space<semaphore_mem>>) src(%dma_wait3A_633 : memref<50x64xf32, #tpu.memory_space<vmem>>) dst(%dma_wait3A_629 : memref<50x64xf32, #tpu.memory_space<hbm>>)
      } else {
      }
      %add3A_172 = arith.constant 0 : i32
      %add3A_173 = arith.addi %mul3A_169, %add3A_172 : i32
      %mul3A_174 = arith.constant 56 : i32
      %mul3A_175 = arith.muli %add3A_173, %mul3A_174 : i32
      %dma_start3A = arith.constant 0 : i32
      %dma_start3A_176 = arith.constant 0 : i32
      %dma_start3A_177 = arith.constant 0 : i32
      %dma_start3A_178 = arith.constant 0 : i32
      %dma_start3A_179 = tpu.memref_slice %arg6[%dma_start3A, %dma_start3A_177, %dma_start3A_178] : memref<8x50x64xf32, #tpu.memory_space<vmem>> -> memref<1x50x64xf32, #tpu.memory_space<vmem>>
      %dma_start3A_180 = tpu.memref_squeeze %dma_start3A_179 : memref<1x50x64xf32, #tpu.memory_space<vmem>> -> memref<50x64xf32, #tpu.memory_space<vmem>>
      %dma_start3A_181 = tpu.memref_slice %arg5[%mul3A_175] : memref<7168xi32, #tpu.memory_space<vmem>> -> memref<50xi32, #tpu.memory_space<vmem>>
      %dma_start3A_182 = arith.constant 0 : i32
      %dma_start3A_183 = arith.constant 0 : i32
      %dma_start3A_184 = tpu.memref_slice %arg3[%dma_start3A_182, %dma_start3A_183] : memref<100000x64xf32, #tpu.memory_space<hbm>> -> memref<100000x64xf32, #tpu.memory_space<hbm>>
      %dma_start3A_185 = tpu.memref_slice %arg7[%dma_start3A_176] : memref<8x!tpu.dma_semaphore, #tpu.memory_space<semaphore_mem>> -> memref<1x!tpu.dma_semaphore, #tpu.memory_space<semaphore_mem>>
      %dma_start3A_186 = tpu.memref_squeeze %dma_start3A_185 : memref<1x!tpu.dma_semaphore, #tpu.memory_space<semaphore_mem>> -> memref<!tpu.dma_semaphore, #tpu.memory_space<semaphore_mem>>
      tpu.enqueue_indirect_dma source(%dma_start3A_184 : memref<100000x64xf32, #tpu.memory_space<hbm>>) target(%dma_start3A_180 : memref<50x64xf32, #tpu.memory_space<vmem>>) offsets(%dma_start3A_181 : memref<50xi32, #tpu.memory_space<vmem>>) semaphore(%dma_start3A_186 : memref<!tpu.dma_semaphore, #tpu.memory_space<semaphore_mem>>)
      %gt3A_187 = arith.constant 0 : i32
      %gt3A_188 = arith.cmpi sgt, %scan3A_167, %gt3A_187 : i32
      %convert_element_type3A_189 = arith.extui %gt3A_188 : i1 to i32
      %cond3A_190 = arith.constant 0 : i32
      %cond3A_191 = arith.cmpi ne, %convert_element_type3A_189, %cond3A_190 : i32
      scf.if %cond3A_191 {
        %dma_wait3A_614 = arith.constant 1 : i32
        %dma_wait3A_615 = arith.constant 1 : i32
        %dma_wait3A_616 = arith.constant 0 : i32
        %dma_wait3A_617 = arith.constant 0 : i32
        %dma_wait3A_618 = tpu.memref_slice %arg6[%dma_wait3A_614, %dma_wait3A_616, %dma_wait3A_617] : memref<8x50x64xf32, #tpu.memory_space<vmem>> -> memref<1x50x64xf32, #tpu.memory_space<vmem>>
        %dma_wait3A_619 = tpu.memref_squeeze %dma_wait3A_618 : memref<1x50x64xf32, #tpu.memory_space<vmem>> -> memref<50x64xf32, #tpu.memory_space<vmem>>
        %dma_wait3A_620 = arith.constant 0 : i32
        %dma_wait3A_621 = arith.constant 0 : i32
        %dma_wait3A_622 = tpu.memref_slice %arg4[%mul3A_2, %dma_wait3A_620, %dma_wait3A_621] : memref<4096x56x128xf32, #tpu.memory_space<hbm>> -> memref<1x50x64xf32, #tpu.memory_space<hbm>>
        %dma_wait3A_623 = tpu.memref_squeeze %dma_wait3A_622 : memref<1x50x64xf32, #tpu.memory_space<hbm>> -> memref<50x64xf32, #tpu.memory_space<hbm>>
        %dma_wait3A_624 = tpu.memref_slice %arg8[%dma_wait3A_615] : memref<8x!tpu.dma_semaphore, #tpu.memory_space<semaphore_mem>> -> memref<1x!tpu.dma_semaphore, #tpu.memory_space<semaphore_mem>>
        %dma_wait3A_625 = tpu.memref_squeeze %dma_wait3A_624 : memref<1x!tpu.dma_semaphore, #tpu.memory_space<semaphore_mem>> -> memref<!tpu.dma_semaphore, #tpu.memory_space<semaphore_mem>>
        %dma_wait3A_626 = arith.constant 0 : i32
        %dma_wait3A_627 = arith.constant 0 : i32
        %dma_wait3A_628 = tpu.memref_slice %arg4[%mul3A_2, %dma_wait3A_626, %dma_wait3A_627] : memref<4096x56x128xf32, #tpu.memory_space<hbm>> -> memref<1x50x64xf32, #tpu.memory_space<hbm>>
        %dma_wait3A_629 = tpu.memref_squeeze %dma_wait3A_628 : memref<1x50x64xf32, #tpu.memory_space<hbm>> -> memref<50x64xf32, #tpu.memory_space<hbm>>
        %dma_wait3A_630 = arith.constant 0 : i32
        %dma_wait3A_631 = arith.constant 0 : i32
        %dma_wait3A_632 = tpu.memref_slice %arg6[%dma_wait3A_614, %dma_wait3A_630, %dma_wait3A_631] : memref<8x50x64xf32, #tpu.memory_space<vmem>> -> memref<1x50x64xf32, #tpu.memory_space<vmem>>
        %dma_wait3A_633 = tpu.memref_squeeze %dma_wait3A_632 : memref<1x50x64xf32, #tpu.memory_space<vmem>> -> memref<50x64xf32, #tpu.memory_space<vmem>>
        tpu.wait_dma2 semaphore(%dma_wait3A_625 : memref<!tpu.dma_semaphore, #tpu.memory_space<semaphore_mem>>) src(%dma_wait3A_633 : memref<50x64xf32, #tpu.memory_space<vmem>>) dst(%dma_wait3A_629 : memref<50x64xf32, #tpu.memory_space<hbm>>)
      } else {
      }
      %add3A_192 = arith.constant 1 : i32
      %add3A_193 = arith.addi %mul3A_169, %add3A_192 : i32
      %mul3A_194 = arith.constant 56 : i32
      %mul3A_195 = arith.muli %add3A_193, %mul3A_194 : i32
      %dma_start3A_196 = arith.constant 1 : i32
      %dma_start3A_197 = arith.constant 1 : i32
      %dma_start3A_198 = arith.constant 0 : i32
      %dma_start3A_199 = arith.constant 0 : i32
      %dma_start3A_200 = tpu.memref_slice %arg6[%dma_start3A_196, %dma_start3A_198, %dma_start3A_199] : memref<8x50x64xf32, #tpu.memory_space<vmem>> -> memref<1x50x64xf32, #tpu.memory_space<vmem>>
      %dma_start3A_201 = tpu.memref_squeeze %dma_start3A_200 : memref<1x50x64xf32, #tpu.memory_space<vmem>> -> memref<50x64xf32, #tpu.memory_space<vmem>>
      %dma_start3A_202 = tpu.memref_slice %arg5[%mul3A_195] : memref<7168xi32, #tpu.memory_space<vmem>> -> memref<50xi32, #tpu.memory_space<vmem>>
      %dma_start3A_203 = arith.constant 0 : i32
      %dma_start3A_204 = arith.constant 0 : i32
      %dma_start3A_205 = tpu.memref_slice %arg3[%dma_start3A_203, %dma_start3A_204] : memref<100000x64xf32, #tpu.memory_space<hbm>> -> memref<100000x64xf32, #tpu.memory_space<hbm>>
      %dma_start3A_206 = tpu.memref_slice %arg7[%dma_start3A_197] : memref<8x!tpu.dma_semaphore, #tpu.memory_space<semaphore_mem>> -> memref<1x!tpu.dma_semaphore, #tpu.memory_space<semaphore_mem>>
      %dma_start3A_207 = tpu.memref_squeeze %dma_start3A_206 : memref<1x!tpu.dma_semaphore, #tpu.memory_space<semaphore_mem>> -> memref<!tpu.dma_semaphore, #tpu.memory_space<semaphore_mem>>
      tpu.enqueue_indirect_dma source(%dma_start3A_205 : memref<100000x64xf32, #tpu.memory_space<hbm>>) target(%dma_start3A_201 : memref<50x64xf32, #tpu.memory_space<vmem>>) offsets(%dma_start3A_202 : memref<50xi32, #tpu.memory_space<vmem>>) semaphore(%dma_start3A_207 : memref<!tpu.dma_semaphore, #tpu.memory_space<semaphore_mem>>)
      %gt3A_208 = arith.constant 0 : i32
      %gt3A_209 = arith.cmpi sgt, %scan3A_167, %gt3A_208 : i32
      %convert_element_type3A_210 = arith.extui %gt3A_209 : i1 to i32
      %cond3A_211 = arith.constant 0 : i32
      %cond3A_212 = arith.cmpi ne, %convert_element_type3A_210, %cond3A_211 : i32
      scf.if %cond3A_212 {
        %dma_wait3A_614 = arith.constant 2 : i32
        %dma_wait3A_615 = arith.constant 2 : i32
        %dma_wait3A_616 = arith.constant 0 : i32
        %dma_wait3A_617 = arith.constant 0 : i32
        %dma_wait3A_618 = tpu.memref_slice %arg6[%dma_wait3A_614, %dma_wait3A_616, %dma_wait3A_617] : memref<8x50x64xf32, #tpu.memory_space<vmem>> -> memref<1x50x64xf32, #tpu.memory_space<vmem>>
        %dma_wait3A_619 = tpu.memref_squeeze %dma_wait3A_618 : memref<1x50x64xf32, #tpu.memory_space<vmem>> -> memref<50x64xf32, #tpu.memory_space<vmem>>
        %dma_wait3A_620 = arith.constant 0 : i32
        %dma_wait3A_621 = arith.constant 0 : i32
        %dma_wait3A_622 = tpu.memref_slice %arg4[%mul3A_2, %dma_wait3A_620, %dma_wait3A_621] : memref<4096x56x128xf32, #tpu.memory_space<hbm>> -> memref<1x50x64xf32, #tpu.memory_space<hbm>>
        %dma_wait3A_623 = tpu.memref_squeeze %dma_wait3A_622 : memref<1x50x64xf32, #tpu.memory_space<hbm>> -> memref<50x64xf32, #tpu.memory_space<hbm>>
        %dma_wait3A_624 = tpu.memref_slice %arg8[%dma_wait3A_615] : memref<8x!tpu.dma_semaphore, #tpu.memory_space<semaphore_mem>> -> memref<1x!tpu.dma_semaphore, #tpu.memory_space<semaphore_mem>>
        %dma_wait3A_625 = tpu.memref_squeeze %dma_wait3A_624 : memref<1x!tpu.dma_semaphore, #tpu.memory_space<semaphore_mem>> -> memref<!tpu.dma_semaphore, #tpu.memory_space<semaphore_mem>>
        %dma_wait3A_626 = arith.constant 0 : i32
        %dma_wait3A_627 = arith.constant 0 : i32
        %dma_wait3A_628 = tpu.memref_slice %arg4[%mul3A_2, %dma_wait3A_626, %dma_wait3A_627] : memref<4096x56x128xf32, #tpu.memory_space<hbm>> -> memref<1x50x64xf32, #tpu.memory_space<hbm>>
        %dma_wait3A_629 = tpu.memref_squeeze %dma_wait3A_628 : memref<1x50x64xf32, #tpu.memory_space<hbm>> -> memref<50x64xf32, #tpu.memory_space<hbm>>
        %dma_wait3A_630 = arith.constant 0 : i32
        %dma_wait3A_631 = arith.constant 0 : i32
        %dma_wait3A_632 = tpu.memref_slice %arg6[%dma_wait3A_614, %dma_wait3A_630, %dma_wait3A_631] : memref<8x50x64xf32, #tpu.memory_space<vmem>> -> memref<1x50x64xf32, #tpu.memory_space<vmem>>
        %dma_wait3A_633 = tpu.memref_squeeze %dma_wait3A_632 : memref<1x50x64xf32, #tpu.memory_space<vmem>> -> memref<50x64xf32, #tpu.memory_space<vmem>>
        tpu.wait_dma2 semaphore(%dma_wait3A_625 : memref<!tpu.dma_semaphore, #tpu.memory_space<semaphore_mem>>) src(%dma_wait3A_633 : memref<50x64xf32, #tpu.memory_space<vmem>>) dst(%dma_wait3A_629 : memref<50x64xf32, #tpu.memory_space<hbm>>)
      } else {
      }
      %add3A_213 = arith.constant 2 : i32
      %add3A_214 = arith.addi %mul3A_169, %add3A_213 : i32
      %mul3A_215 = arith.constant 56 : i32
      %mul3A_216 = arith.muli %add3A_214, %mul3A_215 : i32
      %dma_start3A_217 = arith.constant 2 : i32
      %dma_start3A_218 = arith.constant 2 : i32
      %dma_start3A_219 = arith.constant 0 : i32
      %dma_start3A_220 = arith.constant 0 : i32
      %dma_start3A_221 = tpu.memref_slice %arg6[%dma_start3A_217, %dma_start3A_219, %dma_start3A_220] : memref<8x50x64xf32, #tpu.memory_space<vmem>> -> memref<1x50x64xf32, #tpu.memory_space<vmem>>
      %dma_start3A_222 = tpu.memref_squeeze %dma_start3A_221 : memref<1x50x64xf32, #tpu.memory_space<vmem>> -> memref<50x64xf32, #tpu.memory_space<vmem>>
      %dma_start3A_223 = tpu.memref_slice %arg5[%mul3A_216] : memref<7168xi32, #tpu.memory_space<vmem>> -> memref<50xi32, #tpu.memory_space<vmem>>
      %dma_start3A_224 = arith.constant 0 : i32
      %dma_start3A_225 = arith.constant 0 : i32
      %dma_start3A_226 = tpu.memref_slice %arg3[%dma_start3A_224, %dma_start3A_225] : memref<100000x64xf32, #tpu.memory_space<hbm>> -> memref<100000x64xf32, #tpu.memory_space<hbm>>
      %dma_start3A_227 = tpu.memref_slice %arg7[%dma_start3A_218] : memref<8x!tpu.dma_semaphore, #tpu.memory_space<semaphore_mem>> -> memref<1x!tpu.dma_semaphore, #tpu.memory_space<semaphore_mem>>
      %dma_start3A_228 = tpu.memref_squeeze %dma_start3A_227 : memref<1x!tpu.dma_semaphore, #tpu.memory_space<semaphore_mem>> -> memref<!tpu.dma_semaphore, #tpu.memory_space<semaphore_mem>>
      tpu.enqueue_indirect_dma source(%dma_start3A_226 : memref<100000x64xf32, #tpu.memory_space<hbm>>) target(%dma_start3A_222 : memref<50x64xf32, #tpu.memory_space<vmem>>) offsets(%dma_start3A_223 : memref<50xi32, #tpu.memory_space<vmem>>) semaphore(%dma_start3A_228 : memref<!tpu.dma_semaphore, #tpu.memory_space<semaphore_mem>>)
      %gt3A_229 = arith.constant 0 : i32
      %gt3A_230 = arith.cmpi sgt, %scan3A_167, %gt3A_229 : i32
      %convert_element_type3A_231 = arith.extui %gt3A_230 : i1 to i32
      %cond3A_232 = arith.constant 0 : i32
      %cond3A_233 = arith.cmpi ne, %convert_element_type3A_231, %cond3A_232 : i32
      scf.if %cond3A_233 {
        %dma_wait3A_614 = arith.constant 3 : i32
        %dma_wait3A_615 = arith.constant 3 : i32
        %dma_wait3A_616 = arith.constant 0 : i32
        %dma_wait3A_617 = arith.constant 0 : i32
        %dma_wait3A_618 = tpu.memref_slice %arg6[%dma_wait3A_614, %dma_wait3A_616, %dma_wait3A_617] : memref<8x50x64xf32, #tpu.memory_space<vmem>> -> memref<1x50x64xf32, #tpu.memory_space<vmem>>
        %dma_wait3A_619 = tpu.memref_squeeze %dma_wait3A_618 : memref<1x50x64xf32, #tpu.memory_space<vmem>> -> memref<50x64xf32, #tpu.memory_space<vmem>>
        %dma_wait3A_620 = arith.constant 0 : i32
        %dma_wait3A_621 = arith.constant 0 : i32
        %dma_wait3A_622 = tpu.memref_slice %arg4[%mul3A_2, %dma_wait3A_620, %dma_wait3A_621] : memref<4096x56x128xf32, #tpu.memory_space<hbm>> -> memref<1x50x64xf32, #tpu.memory_space<hbm>>
        %dma_wait3A_623 = tpu.memref_squeeze %dma_wait3A_622 : memref<1x50x64xf32, #tpu.memory_space<hbm>> -> memref<50x64xf32, #tpu.memory_space<hbm>>
        %dma_wait3A_624 = tpu.memref_slice %arg8[%dma_wait3A_615] : memref<8x!tpu.dma_semaphore, #tpu.memory_space<semaphore_mem>> -> memref<1x!tpu.dma_semaphore, #tpu.memory_space<semaphore_mem>>
        %dma_wait3A_625 = tpu.memref_squeeze %dma_wait3A_624 : memref<1x!tpu.dma_semaphore, #tpu.memory_space<semaphore_mem>> -> memref<!tpu.dma_semaphore, #tpu.memory_space<semaphore_mem>>
        %dma_wait3A_626 = arith.constant 0 : i32
        %dma_wait3A_627 = arith.constant 0 : i32
        %dma_wait3A_628 = tpu.memref_slice %arg4[%mul3A_2, %dma_wait3A_626, %dma_wait3A_627] : memref<4096x56x128xf32, #tpu.memory_space<hbm>> -> memref<1x50x64xf32, #tpu.memory_space<hbm>>
        %dma_wait3A_629 = tpu.memref_squeeze %dma_wait3A_628 : memref<1x50x64xf32, #tpu.memory_space<hbm>> -> memref<50x64xf32, #tpu.memory_space<hbm>>
        %dma_wait3A_630 = arith.constant 0 : i32
        %dma_wait3A_631 = arith.constant 0 : i32
        %dma_wait3A_632 = tpu.memref_slice %arg6[%dma_wait3A_614, %dma_wait3A_630, %dma_wait3A_631] : memref<8x50x64xf32, #tpu.memory_space<vmem>> -> memref<1x50x64xf32, #tpu.memory_space<vmem>>
        %dma_wait3A_633 = tpu.memref_squeeze %dma_wait3A_632 : memref<1x50x64xf32, #tpu.memory_space<vmem>> -> memref<50x64xf32, #tpu.memory_space<vmem>>
        tpu.wait_dma2 semaphore(%dma_wait3A_625 : memref<!tpu.dma_semaphore, #tpu.memory_space<semaphore_mem>>) src(%dma_wait3A_633 : memref<50x64xf32, #tpu.memory_space<vmem>>) dst(%dma_wait3A_629 : memref<50x64xf32, #tpu.memory_space<hbm>>)
      } else {
      }
      %add3A_234 = arith.constant 3 : i32
      %add3A_235 = arith.addi %mul3A_169, %add3A_234 : i32
      %mul3A_236 = arith.constant 56 : i32
      %mul3A_237 = arith.muli %add3A_235, %mul3A_236 : i32
      %dma_start3A_238 = arith.constant 3 : i32
      %dma_start3A_239 = arith.constant 3 : i32
      %dma_start3A_240 = arith.constant 0 : i32
      %dma_start3A_241 = arith.constant 0 : i32
      %dma_start3A_242 = tpu.memref_slice %arg6[%dma_start3A_238, %dma_start3A_240, %dma_start3A_241] : memref<8x50x64xf32, #tpu.memory_space<vmem>> -> memref<1x50x64xf32, #tpu.memory_space<vmem>>
      %dma_start3A_243 = tpu.memref_squeeze %dma_start3A_242 : memref<1x50x64xf32, #tpu.memory_space<vmem>> -> memref<50x64xf32, #tpu.memory_space<vmem>>
      %dma_start3A_244 = tpu.memref_slice %arg5[%mul3A_237] : memref<7168xi32, #tpu.memory_space<vmem>> -> memref<50xi32, #tpu.memory_space<vmem>>
      %dma_start3A_245 = arith.constant 0 : i32
      %dma_start3A_246 = arith.constant 0 : i32
      %dma_start3A_247 = tpu.memref_slice %arg3[%dma_start3A_245, %dma_start3A_246] : memref<100000x64xf32, #tpu.memory_space<hbm>> -> memref<100000x64xf32, #tpu.memory_space<hbm>>
      %dma_start3A_248 = tpu.memref_slice %arg7[%dma_start3A_239] : memref<8x!tpu.dma_semaphore, #tpu.memory_space<semaphore_mem>> -> memref<1x!tpu.dma_semaphore, #tpu.memory_space<semaphore_mem>>
      %dma_start3A_249 = tpu.memref_squeeze %dma_start3A_248 : memref<1x!tpu.dma_semaphore, #tpu.memory_space<semaphore_mem>> -> memref<!tpu.dma_semaphore, #tpu.memory_space<semaphore_mem>>
      tpu.enqueue_indirect_dma source(%dma_start3A_247 : memref<100000x64xf32, #tpu.memory_space<hbm>>) target(%dma_start3A_243 : memref<50x64xf32, #tpu.memory_space<vmem>>) offsets(%dma_start3A_244 : memref<50xi32, #tpu.memory_space<vmem>>) semaphore(%dma_start3A_249 : memref<!tpu.dma_semaphore, #tpu.memory_space<semaphore_mem>>)
      %gt3A_250 = arith.constant 0 : i32
      %gt3A_251 = arith.cmpi sgt, %scan3A_167, %gt3A_250 : i32
      %convert_element_type3A_252 = arith.extui %gt3A_251 : i1 to i32
      %cond3A_253 = arith.constant 0 : i32
      %cond3A_254 = arith.cmpi ne, %convert_element_type3A_252, %cond3A_253 : i32
      scf.if %cond3A_254 {
        %dma_wait3A_614 = arith.constant 4 : i32
        %dma_wait3A_615 = arith.constant 4 : i32
        %dma_wait3A_616 = arith.constant 0 : i32
        %dma_wait3A_617 = arith.constant 0 : i32
        %dma_wait3A_618 = tpu.memref_slice %arg6[%dma_wait3A_614, %dma_wait3A_616, %dma_wait3A_617] : memref<8x50x64xf32, #tpu.memory_space<vmem>> -> memref<1x50x64xf32, #tpu.memory_space<vmem>>
        %dma_wait3A_619 = tpu.memref_squeeze %dma_wait3A_618 : memref<1x50x64xf32, #tpu.memory_space<vmem>> -> memref<50x64xf32, #tpu.memory_space<vmem>>
        %dma_wait3A_620 = arith.constant 0 : i32
        %dma_wait3A_621 = arith.constant 0 : i32
        %dma_wait3A_622 = tpu.memref_slice %arg4[%mul3A_2, %dma_wait3A_620, %dma_wait3A_621] : memref<4096x56x128xf32, #tpu.memory_space<hbm>> -> memref<1x50x64xf32, #tpu.memory_space<hbm>>
        %dma_wait3A_623 = tpu.memref_squeeze %dma_wait3A_622 : memref<1x50x64xf32, #tpu.memory_space<hbm>> -> memref<50x64xf32, #tpu.memory_space<hbm>>
        %dma_wait3A_624 = tpu.memref_slice %arg8[%dma_wait3A_615] : memref<8x!tpu.dma_semaphore, #tpu.memory_space<semaphore_mem>> -> memref<1x!tpu.dma_semaphore, #tpu.memory_space<semaphore_mem>>
        %dma_wait3A_625 = tpu.memref_squeeze %dma_wait3A_624 : memref<1x!tpu.dma_semaphore, #tpu.memory_space<semaphore_mem>> -> memref<!tpu.dma_semaphore, #tpu.memory_space<semaphore_mem>>
        %dma_wait3A_626 = arith.constant 0 : i32
        %dma_wait3A_627 = arith.constant 0 : i32
        %dma_wait3A_628 = tpu.memref_slice %arg4[%mul3A_2, %dma_wait3A_626, %dma_wait3A_627] : memref<4096x56x128xf32, #tpu.memory_space<hbm>> -> memref<1x50x64xf32, #tpu.memory_space<hbm>>
        %dma_wait3A_629 = tpu.memref_squeeze %dma_wait3A_628 : memref<1x50x64xf32, #tpu.memory_space<hbm>> -> memref<50x64xf32, #tpu.memory_space<hbm>>
        %dma_wait3A_630 = arith.constant 0 : i32
        %dma_wait3A_631 = arith.constant 0 : i32
        %dma_wait3A_632 = tpu.memref_slice %arg6[%dma_wait3A_614, %dma_wait3A_630, %dma_wait3A_631] : memref<8x50x64xf32, #tpu.memory_space<vmem>> -> memref<1x50x64xf32, #tpu.memory_space<vmem>>
        %dma_wait3A_633 = tpu.memref_squeeze %dma_wait3A_632 : memref<1x50x64xf32, #tpu.memory_space<vmem>> -> memref<50x64xf32, #tpu.memory_space<vmem>>
        tpu.wait_dma2 semaphore(%dma_wait3A_625 : memref<!tpu.dma_semaphore, #tpu.memory_space<semaphore_mem>>) src(%dma_wait3A_633 : memref<50x64xf32, #tpu.memory_space<vmem>>) dst(%dma_wait3A_629 : memref<50x64xf32, #tpu.memory_space<hbm>>)
      } else {
      }
      %add3A_255 = arith.constant 4 : i32
      %add3A_256 = arith.addi %mul3A_169, %add3A_255 : i32
      %mul3A_257 = arith.constant 56 : i32
      %mul3A_258 = arith.muli %add3A_256, %mul3A_257 : i32
      %dma_start3A_259 = arith.constant 4 : i32
      %dma_start3A_260 = arith.constant 4 : i32
      %dma_start3A_261 = arith.constant 0 : i32
      %dma_start3A_262 = arith.constant 0 : i32
      %dma_start3A_263 = tpu.memref_slice %arg6[%dma_start3A_259, %dma_start3A_261, %dma_start3A_262] : memref<8x50x64xf32, #tpu.memory_space<vmem>> -> memref<1x50x64xf32, #tpu.memory_space<vmem>>
      %dma_start3A_264 = tpu.memref_squeeze %dma_start3A_263 : memref<1x50x64xf32, #tpu.memory_space<vmem>> -> memref<50x64xf32, #tpu.memory_space<vmem>>
      %dma_start3A_265 = tpu.memref_slice %arg5[%mul3A_258] : memref<7168xi32, #tpu.memory_space<vmem>> -> memref<50xi32, #tpu.memory_space<vmem>>
      %dma_start3A_266 = arith.constant 0 : i32
      %dma_start3A_267 = arith.constant 0 : i32
      %dma_start3A_268 = tpu.memref_slice %arg3[%dma_start3A_266, %dma_start3A_267] : memref<100000x64xf32, #tpu.memory_space<hbm>> -> memref<100000x64xf32, #tpu.memory_space<hbm>>
      %dma_start3A_269 = tpu.memref_slice %arg7[%dma_start3A_260] : memref<8x!tpu.dma_semaphore, #tpu.memory_space<semaphore_mem>> -> memref<1x!tpu.dma_semaphore, #tpu.memory_space<semaphore_mem>>
      %dma_start3A_270 = tpu.memref_squeeze %dma_start3A_269 : memref<1x!tpu.dma_semaphore, #tpu.memory_space<semaphore_mem>> -> memref<!tpu.dma_semaphore, #tpu.memory_space<semaphore_mem>>
      tpu.enqueue_indirect_dma source(%dma_start3A_268 : memref<100000x64xf32, #tpu.memory_space<hbm>>) target(%dma_start3A_264 : memref<50x64xf32, #tpu.memory_space<vmem>>) offsets(%dma_start3A_265 : memref<50xi32, #tpu.memory_space<vmem>>) semaphore(%dma_start3A_270 : memref<!tpu.dma_semaphore, #tpu.memory_space<semaphore_mem>>)
      %gt3A_271 = arith.constant 0 : i32
      %gt3A_272 = arith.cmpi sgt, %scan3A_167, %gt3A_271 : i32
      %convert_element_type3A_273 = arith.extui %gt3A_272 : i1 to i32
      %cond3A_274 = arith.constant 0 : i32
      %cond3A_275 = arith.cmpi ne, %convert_element_type3A_273, %cond3A_274 : i32
      scf.if %cond3A_275 {
        %dma_wait3A_614 = arith.constant 5 : i32
        %dma_wait3A_615 = arith.constant 5 : i32
        %dma_wait3A_616 = arith.constant 0 : i32
        %dma_wait3A_617 = arith.constant 0 : i32
        %dma_wait3A_618 = tpu.memref_slice %arg6[%dma_wait3A_614, %dma_wait3A_616, %dma_wait3A_617] : memref<8x50x64xf32, #tpu.memory_space<vmem>> -> memref<1x50x64xf32, #tpu.memory_space<vmem>>
        %dma_wait3A_619 = tpu.memref_squeeze %dma_wait3A_618 : memref<1x50x64xf32, #tpu.memory_space<vmem>> -> memref<50x64xf32, #tpu.memory_space<vmem>>
        %dma_wait3A_620 = arith.constant 0 : i32
        %dma_wait3A_621 = arith.constant 0 : i32
        %dma_wait3A_622 = tpu.memref_slice %arg4[%mul3A_2, %dma_wait3A_620, %dma_wait3A_621] : memref<4096x56x128xf32, #tpu.memory_space<hbm>> -> memref<1x50x64xf32, #tpu.memory_space<hbm>>
        %dma_wait3A_623 = tpu.memref_squeeze %dma_wait3A_622 : memref<1x50x64xf32, #tpu.memory_space<hbm>> -> memref<50x64xf32, #tpu.memory_space<hbm>>
        %dma_wait3A_624 = tpu.memref_slice %arg8[%dma_wait3A_615] : memref<8x!tpu.dma_semaphore, #tpu.memory_space<semaphore_mem>> -> memref<1x!tpu.dma_semaphore, #tpu.memory_space<semaphore_mem>>
        %dma_wait3A_625 = tpu.memref_squeeze %dma_wait3A_624 : memref<1x!tpu.dma_semaphore, #tpu.memory_space<semaphore_mem>> -> memref<!tpu.dma_semaphore, #tpu.memory_space<semaphore_mem>>
        %dma_wait3A_626 = arith.constant 0 : i32
        %dma_wait3A_627 = arith.constant 0 : i32
        %dma_wait3A_628 = tpu.memref_slice %arg4[%mul3A_2, %dma_wait3A_626, %dma_wait3A_627] : memref<4096x56x128xf32, #tpu.memory_space<hbm>> -> memref<1x50x64xf32, #tpu.memory_space<hbm>>
        %dma_wait3A_629 = tpu.memref_squeeze %dma_wait3A_628 : memref<1x50x64xf32, #tpu.memory_space<hbm>> -> memref<50x64xf32, #tpu.memory_space<hbm>>
        %dma_wait3A_630 = arith.constant 0 : i32
        %dma_wait3A_631 = arith.constant 0 : i32
        %dma_wait3A_632 = tpu.memref_slice %arg6[%dma_wait3A_614, %dma_wait3A_630, %dma_wait3A_631] : memref<8x50x64xf32, #tpu.memory_space<vmem>> -> memref<1x50x64xf32, #tpu.memory_space<vmem>>
        %dma_wait3A_633 = tpu.memref_squeeze %dma_wait3A_632 : memref<1x50x64xf32, #tpu.memory_space<vmem>> -> memref<50x64xf32, #tpu.memory_space<vmem>>
        tpu.wait_dma2 semaphore(%dma_wait3A_625 : memref<!tpu.dma_semaphore, #tpu.memory_space<semaphore_mem>>) src(%dma_wait3A_633 : memref<50x64xf32, #tpu.memory_space<vmem>>) dst(%dma_wait3A_629 : memref<50x64xf32, #tpu.memory_space<hbm>>)
      } else {
      }
      %add3A_276 = arith.constant 5 : i32
      %add3A_277 = arith.addi %mul3A_169, %add3A_276 : i32
      %mul3A_278 = arith.constant 56 : i32
      %mul3A_279 = arith.muli %add3A_277, %mul3A_278 : i32
      %dma_start3A_280 = arith.constant 5 : i32
      %dma_start3A_281 = arith.constant 5 : i32
      %dma_start3A_282 = arith.constant 0 : i32
      %dma_start3A_283 = arith.constant 0 : i32
      %dma_start3A_284 = tpu.memref_slice %arg6[%dma_start3A_280, %dma_start3A_282, %dma_start3A_283] : memref<8x50x64xf32, #tpu.memory_space<vmem>> -> memref<1x50x64xf32, #tpu.memory_space<vmem>>
      %dma_start3A_285 = tpu.memref_squeeze %dma_start3A_284 : memref<1x50x64xf32, #tpu.memory_space<vmem>> -> memref<50x64xf32, #tpu.memory_space<vmem>>
      %dma_start3A_286 = tpu.memref_slice %arg5[%mul3A_279] : memref<7168xi32, #tpu.memory_space<vmem>> -> memref<50xi32, #tpu.memory_space<vmem>>
      %dma_start3A_287 = arith.constant 0 : i32
      %dma_start3A_288 = arith.constant 0 : i32
      %dma_start3A_289 = tpu.memref_slice %arg3[%dma_start3A_287, %dma_start3A_288] : memref<100000x64xf32, #tpu.memory_space<hbm>> -> memref<100000x64xf32, #tpu.memory_space<hbm>>
      %dma_start3A_290 = tpu.memref_slice %arg7[%dma_start3A_281] : memref<8x!tpu.dma_semaphore, #tpu.memory_space<semaphore_mem>> -> memref<1x!tpu.dma_semaphore, #tpu.memory_space<semaphore_mem>>
      %dma_start3A_291 = tpu.memref_squeeze %dma_start3A_290 : memref<1x!tpu.dma_semaphore, #tpu.memory_space<semaphore_mem>> -> memref<!tpu.dma_semaphore, #tpu.memory_space<semaphore_mem>>
      tpu.enqueue_indirect_dma source(%dma_start3A_289 : memref<100000x64xf32, #tpu.memory_space<hbm>>) target(%dma_start3A_285 : memref<50x64xf32, #tpu.memory_space<vmem>>) offsets(%dma_start3A_286 : memref<50xi32, #tpu.memory_space<vmem>>) semaphore(%dma_start3A_291 : memref<!tpu.dma_semaphore, #tpu.memory_space<semaphore_mem>>)
      %gt3A_292 = arith.constant 0 : i32
      %gt3A_293 = arith.cmpi sgt, %scan3A_167, %gt3A_292 : i32
      %convert_element_type3A_294 = arith.extui %gt3A_293 : i1 to i32
      %cond3A_295 = arith.constant 0 : i32
      %cond3A_296 = arith.cmpi ne, %convert_element_type3A_294, %cond3A_295 : i32
      scf.if %cond3A_296 {
        %dma_wait3A_614 = arith.constant 6 : i32
        %dma_wait3A_615 = arith.constant 6 : i32
        %dma_wait3A_616 = arith.constant 0 : i32
        %dma_wait3A_617 = arith.constant 0 : i32
        %dma_wait3A_618 = tpu.memref_slice %arg6[%dma_wait3A_614, %dma_wait3A_616, %dma_wait3A_617] : memref<8x50x64xf32, #tpu.memory_space<vmem>> -> memref<1x50x64xf32, #tpu.memory_space<vmem>>
        %dma_wait3A_619 = tpu.memref_squeeze %dma_wait3A_618 : memref<1x50x64xf32, #tpu.memory_space<vmem>> -> memref<50x64xf32, #tpu.memory_space<vmem>>
        %dma_wait3A_620 = arith.constant 0 : i32
        %dma_wait3A_621 = arith.constant 0 : i32
        %dma_wait3A_622 = tpu.memref_slice %arg4[%mul3A_2, %dma_wait3A_620, %dma_wait3A_621] : memref<4096x56x128xf32, #tpu.memory_space<hbm>> -> memref<1x50x64xf32, #tpu.memory_space<hbm>>
        %dma_wait3A_623 = tpu.memref_squeeze %dma_wait3A_622 : memref<1x50x64xf32, #tpu.memory_space<hbm>> -> memref<50x64xf32, #tpu.memory_space<hbm>>
        %dma_wait3A_624 = tpu.memref_slice %arg8[%dma_wait3A_615] : memref<8x!tpu.dma_semaphore, #tpu.memory_space<semaphore_mem>> -> memref<1x!tpu.dma_semaphore, #tpu.memory_space<semaphore_mem>>
        %dma_wait3A_625 = tpu.memref_squeeze %dma_wait3A_624 : memref<1x!tpu.dma_semaphore, #tpu.memory_space<semaphore_mem>> -> memref<!tpu.dma_semaphore, #tpu.memory_space<semaphore_mem>>
        %dma_wait3A_626 = arith.constant 0 : i32
        %dma_wait3A_627 = arith.constant 0 : i32
        %dma_wait3A_628 = tpu.memref_slice %arg4[%mul3A_2, %dma_wait3A_626, %dma_wait3A_627] : memref<4096x56x128xf32, #tpu.memory_space<hbm>> -> memref<1x50x64xf32, #tpu.memory_space<hbm>>
        %dma_wait3A_629 = tpu.memref_squeeze %dma_wait3A_628 : memref<1x50x64xf32, #tpu.memory_space<hbm>> -> memref<50x64xf32, #tpu.memory_space<hbm>>
        %dma_wait3A_630 = arith.constant 0 : i32
        %dma_wait3A_631 = arith.constant 0 : i32
        %dma_wait3A_632 = tpu.memref_slice %arg6[%dma_wait3A_614, %dma_wait3A_630, %dma_wait3A_631] : memref<8x50x64xf32, #tpu.memory_space<vmem>> -> memref<1x50x64xf32, #tpu.memory_space<vmem>>
        %dma_wait3A_633 = tpu.memref_squeeze %dma_wait3A_632 : memref<1x50x64xf32, #tpu.memory_space<vmem>> -> memref<50x64xf32, #tpu.memory_space<vmem>>
        tpu.wait_dma2 semaphore(%dma_wait3A_625 : memref<!tpu.dma_semaphore, #tpu.memory_space<semaphore_mem>>) src(%dma_wait3A_633 : memref<50x64xf32, #tpu.memory_space<vmem>>) dst(%dma_wait3A_629 : memref<50x64xf32, #tpu.memory_space<hbm>>)
      } else {
      }
      %add3A_297 = arith.constant 6 : i32
      %add3A_298 = arith.addi %mul3A_169, %add3A_297 : i32
      %mul3A_299 = arith.constant 56 : i32
      %mul3A_300 = arith.muli %add3A_298, %mul3A_299 : i32
      %dma_start3A_301 = arith.constant 6 : i32
      %dma_start3A_302 = arith.constant 6 : i32
      %dma_start3A_303 = arith.constant 0 : i32
      %dma_start3A_304 = arith.constant 0 : i32
      %dma_start3A_305 = tpu.memref_slice %arg6[%dma_start3A_301, %dma_start3A_303, %dma_start3A_304] : memref<8x50x64xf32, #tpu.memory_space<vmem>> -> memref<1x50x64xf32, #tpu.memory_space<vmem>>
      %dma_start3A_306 = tpu.memref_squeeze %dma_start3A_305 : memref<1x50x64xf32, #tpu.memory_space<vmem>> -> memref<50x64xf32, #tpu.memory_space<vmem>>
      %dma_start3A_307 = tpu.memref_slice %arg5[%mul3A_300] : memref<7168xi32, #tpu.memory_space<vmem>> -> memref<50xi32, #tpu.memory_space<vmem>>
      %dma_start3A_308 = arith.constant 0 : i32
      %dma_start3A_309 = arith.constant 0 : i32
      %dma_start3A_310 = tpu.memref_slice %arg3[%dma_start3A_308, %dma_start3A_309] : memref<100000x64xf32, #tpu.memory_space<hbm>> -> memref<100000x64xf32, #tpu.memory_space<hbm>>
      %dma_start3A_311 = tpu.memref_slice %arg7[%dma_start3A_302] : memref<8x!tpu.dma_semaphore, #tpu.memory_space<semaphore_mem>> -> memref<1x!tpu.dma_semaphore, #tpu.memory_space<semaphore_mem>>
      %dma_start3A_312 = tpu.memref_squeeze %dma_start3A_311 : memref<1x!tpu.dma_semaphore, #tpu.memory_space<semaphore_mem>> -> memref<!tpu.dma_semaphore, #tpu.memory_space<semaphore_mem>>
      tpu.enqueue_indirect_dma source(%dma_start3A_310 : memref<100000x64xf32, #tpu.memory_space<hbm>>) target(%dma_start3A_306 : memref<50x64xf32, #tpu.memory_space<vmem>>) offsets(%dma_start3A_307 : memref<50xi32, #tpu.memory_space<vmem>>) semaphore(%dma_start3A_312 : memref<!tpu.dma_semaphore, #tpu.memory_space<semaphore_mem>>)
      %gt3A_313 = arith.constant 0 : i32
      %gt3A_314 = arith.cmpi sgt, %scan3A_167, %gt3A_313 : i32
      %convert_element_type3A_315 = arith.extui %gt3A_314 : i1 to i32
      %cond3A_316 = arith.constant 0 : i32
      %cond3A_317 = arith.cmpi ne, %convert_element_type3A_315, %cond3A_316 : i32
      scf.if %cond3A_317 {
        %dma_wait3A_614 = arith.constant 7 : i32
        %dma_wait3A_615 = arith.constant 7 : i32
        %dma_wait3A_616 = arith.constant 0 : i32
        %dma_wait3A_617 = arith.constant 0 : i32
        %dma_wait3A_618 = tpu.memref_slice %arg6[%dma_wait3A_614, %dma_wait3A_616, %dma_wait3A_617] : memref<8x50x64xf32, #tpu.memory_space<vmem>> -> memref<1x50x64xf32, #tpu.memory_space<vmem>>
        %dma_wait3A_619 = tpu.memref_squeeze %dma_wait3A_618 : memref<1x50x64xf32, #tpu.memory_space<vmem>> -> memref<50x64xf32, #tpu.memory_space<vmem>>
        %dma_wait3A_620 = arith.constant 0 : i32
        %dma_wait3A_621 = arith.constant 0 : i32
        %dma_wait3A_622 = tpu.memref_slice %arg4[%mul3A_2, %dma_wait3A_620, %dma_wait3A_621] : memref<4096x56x128xf32, #tpu.memory_space<hbm>> -> memref<1x50x64xf32, #tpu.memory_space<hbm>>
        %dma_wait3A_623 = tpu.memref_squeeze %dma_wait3A_622 : memref<1x50x64xf32, #tpu.memory_space<hbm>> -> memref<50x64xf32, #tpu.memory_space<hbm>>
        %dma_wait3A_624 = tpu.memref_slice %arg8[%dma_wait3A_615] : memref<8x!tpu.dma_semaphore, #tpu.memory_space<semaphore_mem>> -> memref<1x!tpu.dma_semaphore, #tpu.memory_space<semaphore_mem>>
        %dma_wait3A_625 = tpu.memref_squeeze %dma_wait3A_624 : memref<1x!tpu.dma_semaphore, #tpu.memory_space<semaphore_mem>> -> memref<!tpu.dma_semaphore, #tpu.memory_space<semaphore_mem>>
        %dma_wait3A_626 = arith.constant 0 : i32
        %dma_wait3A_627 = arith.constant 0 : i32
        %dma_wait3A_628 = tpu.memref_slice %arg4[%mul3A_2, %dma_wait3A_626, %dma_wait3A_627] : memref<4096x56x128xf32, #tpu.memory_space<hbm>> -> memref<1x50x64xf32, #tpu.memory_space<hbm>>
        %dma_wait3A_629 = tpu.memref_squeeze %dma_wait3A_628 : memref<1x50x64xf32, #tpu.memory_space<hbm>> -> memref<50x64xf32, #tpu.memory_space<hbm>>
        %dma_wait3A_630 = arith.constant 0 : i32
        %dma_wait3A_631 = arith.constant 0 : i32
        %dma_wait3A_632 = tpu.memref_slice %arg6[%dma_wait3A_614, %dma_wait3A_630, %dma_wait3A_631] : memref<8x50x64xf32, #tpu.memory_space<vmem>> -> memref<1x50x64xf32, #tpu.memory_space<vmem>>
        %dma_wait3A_633 = tpu.memref_squeeze %dma_wait3A_632 : memref<1x50x64xf32, #tpu.memory_space<vmem>> -> memref<50x64xf32, #tpu.memory_space<vmem>>
        tpu.wait_dma2 semaphore(%dma_wait3A_625 : memref<!tpu.dma_semaphore, #tpu.memory_space<semaphore_mem>>) src(%dma_wait3A_633 : memref<50x64xf32, #tpu.memory_space<vmem>>) dst(%dma_wait3A_629 : memref<50x64xf32, #tpu.memory_space<hbm>>)
      } else {
      }
      %add3A_318 = arith.constant 7 : i32
      %add3A_319 = arith.addi %mul3A_169, %add3A_318 : i32
      %mul3A_320 = arith.constant 56 : i32
      %mul3A_321 = arith.muli %add3A_319, %mul3A_320 : i32
      %dma_start3A_322 = arith.constant 7 : i32
      %dma_start3A_323 = arith.constant 7 : i32
      %dma_start3A_324 = arith.constant 0 : i32
      %dma_start3A_325 = arith.constant 0 : i32
      %dma_start3A_326 = tpu.memref_slice %arg6[%dma_start3A_322, %dma_start3A_324, %dma_start3A_325] : memref<8x50x64xf32, #tpu.memory_space<vmem>> -> memref<1x50x64xf32, #tpu.memory_space<vmem>>
      %dma_start3A_327 = tpu.memref_squeeze %dma_start3A_326 : memref<1x50x64xf32, #tpu.memory_space<vmem>> -> memref<50x64xf32, #tpu.memory_space<vmem>>
      %dma_start3A_328 = tpu.memref_slice %arg5[%mul3A_321] : memref<7168xi32, #tpu.memory_space<vmem>> -> memref<50xi32, #tpu.memory_space<vmem>>
      %dma_start3A_329 = arith.constant 0 : i32
      %dma_start3A_330 = arith.constant 0 : i32
      %dma_start3A_331 = tpu.memref_slice %arg3[%dma_start3A_329, %dma_start3A_330] : memref<100000x64xf32, #tpu.memory_space<hbm>> -> memref<100000x64xf32, #tpu.memory_space<hbm>>
      %dma_start3A_332 = tpu.memref_slice %arg7[%dma_start3A_323] : memref<8x!tpu.dma_semaphore, #tpu.memory_space<semaphore_mem>> -> memref<1x!tpu.dma_semaphore, #tpu.memory_space<semaphore_mem>>
      %dma_start3A_333 = tpu.memref_squeeze %dma_start3A_332 : memref<1x!tpu.dma_semaphore, #tpu.memory_space<semaphore_mem>> -> memref<!tpu.dma_semaphore, #tpu.memory_space<semaphore_mem>>
      tpu.enqueue_indirect_dma source(%dma_start3A_331 : memref<100000x64xf32, #tpu.memory_space<hbm>>) target(%dma_start3A_327 : memref<50x64xf32, #tpu.memory_space<vmem>>) offsets(%dma_start3A_328 : memref<50xi32, #tpu.memory_space<vmem>>) semaphore(%dma_start3A_333 : memref<!tpu.dma_semaphore, #tpu.memory_space<semaphore_mem>>)
      %dma_wait3A_334 = arith.constant 0 : i32
      %dma_wait3A_335 = arith.constant 0 : i32
      %dma_wait3A_336 = arith.constant 0 : i32
      %dma_wait3A_337 = arith.constant 0 : i32
      %dma_wait3A_338 = tpu.memref_slice %arg6[%dma_wait3A_334, %dma_wait3A_336, %dma_wait3A_337] : memref<8x50x64xf32, #tpu.memory_space<vmem>> -> memref<1x50x64xf32, #tpu.memory_space<vmem>>
      %dma_wait3A_339 = tpu.memref_squeeze %dma_wait3A_338 : memref<1x50x64xf32, #tpu.memory_space<vmem>> -> memref<50x64xf32, #tpu.memory_space<vmem>>
      %dma_wait3A_340 = tpu.memref_slice %arg5[%mul3A_175] : memref<7168xi32, #tpu.memory_space<vmem>> -> memref<50xi32, #tpu.memory_space<vmem>>
      %dma_wait3A_341 = arith.constant 0 : i32
      %dma_wait3A_342 = arith.constant 0 : i32
      %dma_wait3A_343 = tpu.memref_slice %arg3[%dma_wait3A_341, %dma_wait3A_342] : memref<100000x64xf32, #tpu.memory_space<hbm>> -> memref<100000x64xf32, #tpu.memory_space<hbm>>
      %dma_wait3A_344 = tpu.memref_slice %arg7[%dma_wait3A_335] : memref<8x!tpu.dma_semaphore, #tpu.memory_space<semaphore_mem>> -> memref<1x!tpu.dma_semaphore, #tpu.memory_space<semaphore_mem>>
      %dma_wait3A_345 = tpu.memref_squeeze %dma_wait3A_344 : memref<1x!tpu.dma_semaphore, #tpu.memory_space<semaphore_mem>> -> memref<!tpu.dma_semaphore, #tpu.memory_space<semaphore_mem>>
      tpu.wait_indirect_dma semaphore(%dma_wait3A_345 : memref<!tpu.dma_semaphore, #tpu.memory_space<semaphore_mem>>) src(%dma_wait3A_343 : memref<100000x64xf32, #tpu.memory_space<hbm>>) dst(%dma_wait3A_339 : memref<50x64xf32, #tpu.memory_space<vmem>>)
      %add3A_346 = arith.addi %mul3A_2, %mul3A_169 : i32
      %add3A_347 = arith.constant 0 : i32
      %add3A_348 = arith.addi %add3A_346, %add3A_347 : i32
      %dma_start3A_349 = arith.constant 0 : i32
      %dma_start3A_350 = arith.constant 0 : i32
      %dma_start3A_351 = arith.constant 0 : i32
      %dma_start3A_352 = arith.constant 0 : i32
      %dma_start3A_353 = tpu.memref_slice %arg6[%dma_start3A_349, %dma_start3A_351, %dma_start3A_352] : memref<8x50x64xf32, #tpu.memory_space<vmem>> -> memref<1x50x64xf32, #tpu.memory_space<vmem>>
      %dma_start3A_354 = tpu.memref_squeeze %dma_start3A_353 : memref<1x50x64xf32, #tpu.memory_space<vmem>> -> memref<50x64xf32, #tpu.memory_space<vmem>>
      %dma_start3A_355 = arith.constant 0 : i32
      %dma_start3A_356 = arith.constant 0 : i32
      %dma_start3A_357 = tpu.memref_slice %arg4[%add3A_348, %dma_start3A_355, %dma_start3A_356] : memref<4096x56x128xf32, #tpu.memory_space<hbm>> -> memref<1x50x64xf32, #tpu.memory_space<hbm>>
      %dma_start3A_358 = tpu.memref_squeeze %dma_start3A_357 : memref<1x50x64xf32, #tpu.memory_space<hbm>> -> memref<50x64xf32, #tpu.memory_space<hbm>>
      %dma_start3A_359 = tpu.memref_slice %arg8[%dma_start3A_350] : memref<8x!tpu.dma_semaphore, #tpu.memory_space<semaphore_mem>> -> memref<1x!tpu.dma_semaphore, #tpu.memory_space<semaphore_mem>>
      %dma_start3A_360 = tpu.memref_squeeze %dma_start3A_359 : memref<1x!tpu.dma_semaphore, #tpu.memory_space<semaphore_mem>> -> memref<!tpu.dma_semaphore, #tpu.memory_space<semaphore_mem>>
      %dma_start3A_361 = arith.constant 0 : i32
      %dma_start3A_362 = arith.constant 0 : i32
      %dma_start3A_363 = tpu.memref_slice %arg4[%add3A_348, %dma_start3A_361, %dma_start3A_362] : memref<4096x56x128xf32, #tpu.memory_space<hbm>> -> memref<1x50x64xf32, #tpu.memory_space<hbm>>
      %dma_start3A_364 = tpu.memref_squeeze %dma_start3A_363 : memref<1x50x64xf32, #tpu.memory_space<hbm>> -> memref<50x64xf32, #tpu.memory_space<hbm>>
      %dma_start3A_365 = arith.constant 0 : i32
      %dma_start3A_366 = arith.constant 0 : i32
      %dma_start3A_367 = tpu.memref_slice %arg6[%dma_start3A_349, %dma_start3A_365, %dma_start3A_366] : memref<8x50x64xf32, #tpu.memory_space<vmem>> -> memref<1x50x64xf32, #tpu.memory_space<vmem>>
      %dma_start3A_368 = tpu.memref_squeeze %dma_start3A_367 : memref<1x50x64xf32, #tpu.memory_space<vmem>> -> memref<50x64xf32, #tpu.memory_space<vmem>>
      tpu.enqueue_dma source(%dma_start3A_368 : memref<50x64xf32, #tpu.memory_space<vmem>>) target(%dma_start3A_364 : memref<50x64xf32, #tpu.memory_space<hbm>>) target_semaphore(%dma_start3A_360 : memref<!tpu.dma_semaphore, #tpu.memory_space<semaphore_mem>>)
      %dma_wait3A_369 = arith.constant 1 : i32
      %dma_wait3A_370 = arith.constant 1 : i32
      %dma_wait3A_371 = arith.constant 0 : i32
      %dma_wait3A_372 = arith.constant 0 : i32
      %dma_wait3A_373 = tpu.memref_slice %arg6[%dma_wait3A_369, %dma_wait3A_371, %dma_wait3A_372] : memref<8x50x64xf32, #tpu.memory_space<vmem>> -> memref<1x50x64xf32, #tpu.memory_space<vmem>>
      %dma_wait3A_374 = tpu.memref_squeeze %dma_wait3A_373 : memref<1x50x64xf32, #tpu.memory_space<vmem>> -> memref<50x64xf32, #tpu.memory_space<vmem>>
      %dma_wait3A_375 = tpu.memref_slice %arg5[%mul3A_195] : memref<7168xi32, #tpu.memory_space<vmem>> -> memref<50xi32, #tpu.memory_space<vmem>>
      %dma_wait3A_376 = arith.constant 0 : i32
      %dma_wait3A_377 = arith.constant 0 : i32
      %dma_wait3A_378 = tpu.memref_slice %arg3[%dma_wait3A_376, %dma_wait3A_377] : memref<100000x64xf32, #tpu.memory_space<hbm>> -> memref<100000x64xf32, #tpu.memory_space<hbm>>
      %dma_wait3A_379 = tpu.memref_slice %arg7[%dma_wait3A_370] : memref<8x!tpu.dma_semaphore, #tpu.memory_space<semaphore_mem>> -> memref<1x!tpu.dma_semaphore, #tpu.memory_space<semaphore_mem>>
      %dma_wait3A_380 = tpu.memref_squeeze %dma_wait3A_379 : memref<1x!tpu.dma_semaphore, #tpu.memory_space<semaphore_mem>> -> memref<!tpu.dma_semaphore, #tpu.memory_space<semaphore_mem>>
      tpu.wait_indirect_dma semaphore(%dma_wait3A_380 : memref<!tpu.dma_semaphore, #tpu.memory_space<semaphore_mem>>) src(%dma_wait3A_378 : memref<100000x64xf32, #tpu.memory_space<hbm>>) dst(%dma_wait3A_374 : memref<50x64xf32, #tpu.memory_space<vmem>>)
      %add3A_381 = arith.addi %mul3A_2, %mul3A_169 : i32
      %add3A_382 = arith.constant 1 : i32
      %add3A_383 = arith.addi %add3A_381, %add3A_382 : i32
      %dma_start3A_384 = arith.constant 1 : i32
      %dma_start3A_385 = arith.constant 1 : i32
      %dma_start3A_386 = arith.constant 0 : i32
      %dma_start3A_387 = arith.constant 0 : i32
      %dma_start3A_388 = tpu.memref_slice %arg6[%dma_start3A_384, %dma_start3A_386, %dma_start3A_387] : memref<8x50x64xf32, #tpu.memory_space<vmem>> -> memref<1x50x64xf32, #tpu.memory_space<vmem>>
      %dma_start3A_389 = tpu.memref_squeeze %dma_start3A_388 : memref<1x50x64xf32, #tpu.memory_space<vmem>> -> memref<50x64xf32, #tpu.memory_space<vmem>>
      %dma_start3A_390 = arith.constant 0 : i32
      %dma_start3A_391 = arith.constant 0 : i32
      %dma_start3A_392 = tpu.memref_slice %arg4[%add3A_383, %dma_start3A_390, %dma_start3A_391] : memref<4096x56x128xf32, #tpu.memory_space<hbm>> -> memref<1x50x64xf32, #tpu.memory_space<hbm>>
      %dma_start3A_393 = tpu.memref_squeeze %dma_start3A_392 : memref<1x50x64xf32, #tpu.memory_space<hbm>> -> memref<50x64xf32, #tpu.memory_space<hbm>>
      %dma_start3A_394 = tpu.memref_slice %arg8[%dma_start3A_385] : memref<8x!tpu.dma_semaphore, #tpu.memory_space<semaphore_mem>> -> memref<1x!tpu.dma_semaphore, #tpu.memory_space<semaphore_mem>>
      %dma_start3A_395 = tpu.memref_squeeze %dma_start3A_394 : memref<1x!tpu.dma_semaphore, #tpu.memory_space<semaphore_mem>> -> memref<!tpu.dma_semaphore, #tpu.memory_space<semaphore_mem>>
      %dma_start3A_396 = arith.constant 0 : i32
      %dma_start3A_397 = arith.constant 0 : i32
      %dma_start3A_398 = tpu.memref_slice %arg4[%add3A_383, %dma_start3A_396, %dma_start3A_397] : memref<4096x56x128xf32, #tpu.memory_space<hbm>> -> memref<1x50x64xf32, #tpu.memory_space<hbm>>
      %dma_start3A_399 = tpu.memref_squeeze %dma_start3A_398 : memref<1x50x64xf32, #tpu.memory_space<hbm>> -> memref<50x64xf32, #tpu.memory_space<hbm>>
      %dma_start3A_400 = arith.constant 0 : i32
      %dma_start3A_401 = arith.constant 0 : i32
      %dma_start3A_402 = tpu.memref_slice %arg6[%dma_start3A_384, %dma_start3A_400, %dma_start3A_401] : memref<8x50x64xf32, #tpu.memory_space<vmem>> -> memref<1x50x64xf32, #tpu.memory_space<vmem>>
      %dma_start3A_403 = tpu.memref_squeeze %dma_start3A_402 : memref<1x50x64xf32, #tpu.memory_space<vmem>> -> memref<50x64xf32, #tpu.memory_space<vmem>>
      tpu.enqueue_dma source(%dma_start3A_403 : memref<50x64xf32, #tpu.memory_space<vmem>>) target(%dma_start3A_399 : memref<50x64xf32, #tpu.memory_space<hbm>>) target_semaphore(%dma_start3A_395 : memref<!tpu.dma_semaphore, #tpu.memory_space<semaphore_mem>>)
      %dma_wait3A_404 = arith.constant 2 : i32
      %dma_wait3A_405 = arith.constant 2 : i32
      %dma_wait3A_406 = arith.constant 0 : i32
      %dma_wait3A_407 = arith.constant 0 : i32
      %dma_wait3A_408 = tpu.memref_slice %arg6[%dma_wait3A_404, %dma_wait3A_406, %dma_wait3A_407] : memref<8x50x64xf32, #tpu.memory_space<vmem>> -> memref<1x50x64xf32, #tpu.memory_space<vmem>>
      %dma_wait3A_409 = tpu.memref_squeeze %dma_wait3A_408 : memref<1x50x64xf32, #tpu.memory_space<vmem>> -> memref<50x64xf32, #tpu.memory_space<vmem>>
      %dma_wait3A_410 = tpu.memref_slice %arg5[%mul3A_216] : memref<7168xi32, #tpu.memory_space<vmem>> -> memref<50xi32, #tpu.memory_space<vmem>>
      %dma_wait3A_411 = arith.constant 0 : i32
      %dma_wait3A_412 = arith.constant 0 : i32
      %dma_wait3A_413 = tpu.memref_slice %arg3[%dma_wait3A_411, %dma_wait3A_412] : memref<100000x64xf32, #tpu.memory_space<hbm>> -> memref<100000x64xf32, #tpu.memory_space<hbm>>
      %dma_wait3A_414 = tpu.memref_slice %arg7[%dma_wait3A_405] : memref<8x!tpu.dma_semaphore, #tpu.memory_space<semaphore_mem>> -> memref<1x!tpu.dma_semaphore, #tpu.memory_space<semaphore_mem>>
      %dma_wait3A_415 = tpu.memref_squeeze %dma_wait3A_414 : memref<1x!tpu.dma_semaphore, #tpu.memory_space<semaphore_mem>> -> memref<!tpu.dma_semaphore, #tpu.memory_space<semaphore_mem>>
      tpu.wait_indirect_dma semaphore(%dma_wait3A_415 : memref<!tpu.dma_semaphore, #tpu.memory_space<semaphore_mem>>) src(%dma_wait3A_413 : memref<100000x64xf32, #tpu.memory_space<hbm>>) dst(%dma_wait3A_409 : memref<50x64xf32, #tpu.memory_space<vmem>>)
      %add3A_416 = arith.addi %mul3A_2, %mul3A_169 : i32
      %add3A_417 = arith.constant 2 : i32
      %add3A_418 = arith.addi %add3A_416, %add3A_417 : i32
      %dma_start3A_419 = arith.constant 2 : i32
      %dma_start3A_420 = arith.constant 2 : i32
      %dma_start3A_421 = arith.constant 0 : i32
      %dma_start3A_422 = arith.constant 0 : i32
      %dma_start3A_423 = tpu.memref_slice %arg6[%dma_start3A_419, %dma_start3A_421, %dma_start3A_422] : memref<8x50x64xf32, #tpu.memory_space<vmem>> -> memref<1x50x64xf32, #tpu.memory_space<vmem>>
      %dma_start3A_424 = tpu.memref_squeeze %dma_start3A_423 : memref<1x50x64xf32, #tpu.memory_space<vmem>> -> memref<50x64xf32, #tpu.memory_space<vmem>>
      %dma_start3A_425 = arith.constant 0 : i32
      %dma_start3A_426 = arith.constant 0 : i32
      %dma_start3A_427 = tpu.memref_slice %arg4[%add3A_418, %dma_start3A_425, %dma_start3A_426] : memref<4096x56x128xf32, #tpu.memory_space<hbm>> -> memref<1x50x64xf32, #tpu.memory_space<hbm>>
      %dma_start3A_428 = tpu.memref_squeeze %dma_start3A_427 : memref<1x50x64xf32, #tpu.memory_space<hbm>> -> memref<50x64xf32, #tpu.memory_space<hbm>>
      %dma_start3A_429 = tpu.memref_slice %arg8[%dma_start3A_420] : memref<8x!tpu.dma_semaphore, #tpu.memory_space<semaphore_mem>> -> memref<1x!tpu.dma_semaphore, #tpu.memory_space<semaphore_mem>>
      %dma_start3A_430 = tpu.memref_squeeze %dma_start3A_429 : memref<1x!tpu.dma_semaphore, #tpu.memory_space<semaphore_mem>> -> memref<!tpu.dma_semaphore, #tpu.memory_space<semaphore_mem>>
      %dma_start3A_431 = arith.constant 0 : i32
      %dma_start3A_432 = arith.constant 0 : i32
      %dma_start3A_433 = tpu.memref_slice %arg4[%add3A_418, %dma_start3A_431, %dma_start3A_432] : memref<4096x56x128xf32, #tpu.memory_space<hbm>> -> memref<1x50x64xf32, #tpu.memory_space<hbm>>
      %dma_start3A_434 = tpu.memref_squeeze %dma_start3A_433 : memref<1x50x64xf32, #tpu.memory_space<hbm>> -> memref<50x64xf32, #tpu.memory_space<hbm>>
      %dma_start3A_435 = arith.constant 0 : i32
      %dma_start3A_436 = arith.constant 0 : i32
      %dma_start3A_437 = tpu.memref_slice %arg6[%dma_start3A_419, %dma_start3A_435, %dma_start3A_436] : memref<8x50x64xf32, #tpu.memory_space<vmem>> -> memref<1x50x64xf32, #tpu.memory_space<vmem>>
      %dma_start3A_438 = tpu.memref_squeeze %dma_start3A_437 : memref<1x50x64xf32, #tpu.memory_space<vmem>> -> memref<50x64xf32, #tpu.memory_space<vmem>>
      tpu.enqueue_dma source(%dma_start3A_438 : memref<50x64xf32, #tpu.memory_space<vmem>>) target(%dma_start3A_434 : memref<50x64xf32, #tpu.memory_space<hbm>>) target_semaphore(%dma_start3A_430 : memref<!tpu.dma_semaphore, #tpu.memory_space<semaphore_mem>>)
      %dma_wait3A_439 = arith.constant 3 : i32
      %dma_wait3A_440 = arith.constant 3 : i32
      %dma_wait3A_441 = arith.constant 0 : i32
      %dma_wait3A_442 = arith.constant 0 : i32
      %dma_wait3A_443 = tpu.memref_slice %arg6[%dma_wait3A_439, %dma_wait3A_441, %dma_wait3A_442] : memref<8x50x64xf32, #tpu.memory_space<vmem>> -> memref<1x50x64xf32, #tpu.memory_space<vmem>>
      %dma_wait3A_444 = tpu.memref_squeeze %dma_wait3A_443 : memref<1x50x64xf32, #tpu.memory_space<vmem>> -> memref<50x64xf32, #tpu.memory_space<vmem>>
      %dma_wait3A_445 = tpu.memref_slice %arg5[%mul3A_237] : memref<7168xi32, #tpu.memory_space<vmem>> -> memref<50xi32, #tpu.memory_space<vmem>>
      %dma_wait3A_446 = arith.constant 0 : i32
      %dma_wait3A_447 = arith.constant 0 : i32
      %dma_wait3A_448 = tpu.memref_slice %arg3[%dma_wait3A_446, %dma_wait3A_447] : memref<100000x64xf32, #tpu.memory_space<hbm>> -> memref<100000x64xf32, #tpu.memory_space<hbm>>
      %dma_wait3A_449 = tpu.memref_slice %arg7[%dma_wait3A_440] : memref<8x!tpu.dma_semaphore, #tpu.memory_space<semaphore_mem>> -> memref<1x!tpu.dma_semaphore, #tpu.memory_space<semaphore_mem>>
      %dma_wait3A_450 = tpu.memref_squeeze %dma_wait3A_449 : memref<1x!tpu.dma_semaphore, #tpu.memory_space<semaphore_mem>> -> memref<!tpu.dma_semaphore, #tpu.memory_space<semaphore_mem>>
      tpu.wait_indirect_dma semaphore(%dma_wait3A_450 : memref<!tpu.dma_semaphore, #tpu.memory_space<semaphore_mem>>) src(%dma_wait3A_448 : memref<100000x64xf32, #tpu.memory_space<hbm>>) dst(%dma_wait3A_444 : memref<50x64xf32, #tpu.memory_space<vmem>>)
      %add3A_451 = arith.addi %mul3A_2, %mul3A_169 : i32
      %add3A_452 = arith.constant 3 : i32
      %add3A_453 = arith.addi %add3A_451, %add3A_452 : i32
      %dma_start3A_454 = arith.constant 3 : i32
      %dma_start3A_455 = arith.constant 3 : i32
      %dma_start3A_456 = arith.constant 0 : i32
      %dma_start3A_457 = arith.constant 0 : i32
      %dma_start3A_458 = tpu.memref_slice %arg6[%dma_start3A_454, %dma_start3A_456, %dma_start3A_457] : memref<8x50x64xf32, #tpu.memory_space<vmem>> -> memref<1x50x64xf32, #tpu.memory_space<vmem>>
      %dma_start3A_459 = tpu.memref_squeeze %dma_start3A_458 : memref<1x50x64xf32, #tpu.memory_space<vmem>> -> memref<50x64xf32, #tpu.memory_space<vmem>>
      %dma_start3A_460 = arith.constant 0 : i32
      %dma_start3A_461 = arith.constant 0 : i32
      %dma_start3A_462 = tpu.memref_slice %arg4[%add3A_453, %dma_start3A_460, %dma_start3A_461] : memref<4096x56x128xf32, #tpu.memory_space<hbm>> -> memref<1x50x64xf32, #tpu.memory_space<hbm>>
      %dma_start3A_463 = tpu.memref_squeeze %dma_start3A_462 : memref<1x50x64xf32, #tpu.memory_space<hbm>> -> memref<50x64xf32, #tpu.memory_space<hbm>>
      %dma_start3A_464 = tpu.memref_slice %arg8[%dma_start3A_455] : memref<8x!tpu.dma_semaphore, #tpu.memory_space<semaphore_mem>> -> memref<1x!tpu.dma_semaphore, #tpu.memory_space<semaphore_mem>>
      %dma_start3A_465 = tpu.memref_squeeze %dma_start3A_464 : memref<1x!tpu.dma_semaphore, #tpu.memory_space<semaphore_mem>> -> memref<!tpu.dma_semaphore, #tpu.memory_space<semaphore_mem>>
      %dma_start3A_466 = arith.constant 0 : i32
      %dma_start3A_467 = arith.constant 0 : i32
      %dma_start3A_468 = tpu.memref_slice %arg4[%add3A_453, %dma_start3A_466, %dma_start3A_467] : memref<4096x56x128xf32, #tpu.memory_space<hbm>> -> memref<1x50x64xf32, #tpu.memory_space<hbm>>
      %dma_start3A_469 = tpu.memref_squeeze %dma_start3A_468 : memref<1x50x64xf32, #tpu.memory_space<hbm>> -> memref<50x64xf32, #tpu.memory_space<hbm>>
      %dma_start3A_470 = arith.constant 0 : i32
      %dma_start3A_471 = arith.constant 0 : i32
      %dma_start3A_472 = tpu.memref_slice %arg6[%dma_start3A_454, %dma_start3A_470, %dma_start3A_471] : memref<8x50x64xf32, #tpu.memory_space<vmem>> -> memref<1x50x64xf32, #tpu.memory_space<vmem>>
      %dma_start3A_473 = tpu.memref_squeeze %dma_start3A_472 : memref<1x50x64xf32, #tpu.memory_space<vmem>> -> memref<50x64xf32, #tpu.memory_space<vmem>>
      tpu.enqueue_dma source(%dma_start3A_473 : memref<50x64xf32, #tpu.memory_space<vmem>>) target(%dma_start3A_469 : memref<50x64xf32, #tpu.memory_space<hbm>>) target_semaphore(%dma_start3A_465 : memref<!tpu.dma_semaphore, #tpu.memory_space<semaphore_mem>>)
      %dma_wait3A_474 = arith.constant 4 : i32
      %dma_wait3A_475 = arith.constant 4 : i32
      %dma_wait3A_476 = arith.constant 0 : i32
      %dma_wait3A_477 = arith.constant 0 : i32
      %dma_wait3A_478 = tpu.memref_slice %arg6[%dma_wait3A_474, %dma_wait3A_476, %dma_wait3A_477] : memref<8x50x64xf32, #tpu.memory_space<vmem>> -> memref<1x50x64xf32, #tpu.memory_space<vmem>>
      %dma_wait3A_479 = tpu.memref_squeeze %dma_wait3A_478 : memref<1x50x64xf32, #tpu.memory_space<vmem>> -> memref<50x64xf32, #tpu.memory_space<vmem>>
      %dma_wait3A_480 = tpu.memref_slice %arg5[%mul3A_258] : memref<7168xi32, #tpu.memory_space<vmem>> -> memref<50xi32, #tpu.memory_space<vmem>>
      %dma_wait3A_481 = arith.constant 0 : i32
      %dma_wait3A_482 = arith.constant 0 : i32
      %dma_wait3A_483 = tpu.memref_slice %arg3[%dma_wait3A_481, %dma_wait3A_482] : memref<100000x64xf32, #tpu.memory_space<hbm>> -> memref<100000x64xf32, #tpu.memory_space<hbm>>
      %dma_wait3A_484 = tpu.memref_slice %arg7[%dma_wait3A_475] : memref<8x!tpu.dma_semaphore, #tpu.memory_space<semaphore_mem>> -> memref<1x!tpu.dma_semaphore, #tpu.memory_space<semaphore_mem>>
      %dma_wait3A_485 = tpu.memref_squeeze %dma_wait3A_484 : memref<1x!tpu.dma_semaphore, #tpu.memory_space<semaphore_mem>> -> memref<!tpu.dma_semaphore, #tpu.memory_space<semaphore_mem>>
      tpu.wait_indirect_dma semaphore(%dma_wait3A_485 : memref<!tpu.dma_semaphore, #tpu.memory_space<semaphore_mem>>) src(%dma_wait3A_483 : memref<100000x64xf32, #tpu.memory_space<hbm>>) dst(%dma_wait3A_479 : memref<50x64xf32, #tpu.memory_space<vmem>>)
      %add3A_486 = arith.addi %mul3A_2, %mul3A_169 : i32
      %add3A_487 = arith.constant 4 : i32
      %add3A_488 = arith.addi %add3A_486, %add3A_487 : i32
      %dma_start3A_489 = arith.constant 4 : i32
      %dma_start3A_490 = arith.constant 4 : i32
      %dma_start3A_491 = arith.constant 0 : i32
      %dma_start3A_492 = arith.constant 0 : i32
      %dma_start3A_493 = tpu.memref_slice %arg6[%dma_start3A_489, %dma_start3A_491, %dma_start3A_492] : memref<8x50x64xf32, #tpu.memory_space<vmem>> -> memref<1x50x64xf32, #tpu.memory_space<vmem>>
      %dma_start3A_494 = tpu.memref_squeeze %dma_start3A_493 : memref<1x50x64xf32, #tpu.memory_space<vmem>> -> memref<50x64xf32, #tpu.memory_space<vmem>>
      %dma_start3A_495 = arith.constant 0 : i32
      %dma_start3A_496 = arith.constant 0 : i32
      %dma_start3A_497 = tpu.memref_slice %arg4[%add3A_488, %dma_start3A_495, %dma_start3A_496] : memref<4096x56x128xf32, #tpu.memory_space<hbm>> -> memref<1x50x64xf32, #tpu.memory_space<hbm>>
      %dma_start3A_498 = tpu.memref_squeeze %dma_start3A_497 : memref<1x50x64xf32, #tpu.memory_space<hbm>> -> memref<50x64xf32, #tpu.memory_space<hbm>>
      %dma_start3A_499 = tpu.memref_slice %arg8[%dma_start3A_490] : memref<8x!tpu.dma_semaphore, #tpu.memory_space<semaphore_mem>> -> memref<1x!tpu.dma_semaphore, #tpu.memory_space<semaphore_mem>>
      %dma_start3A_500 = tpu.memref_squeeze %dma_start3A_499 : memref<1x!tpu.dma_semaphore, #tpu.memory_space<semaphore_mem>> -> memref<!tpu.dma_semaphore, #tpu.memory_space<semaphore_mem>>
      %dma_start3A_501 = arith.constant 0 : i32
      %dma_start3A_502 = arith.constant 0 : i32
      %dma_start3A_503 = tpu.memref_slice %arg4[%add3A_488, %dma_start3A_501, %dma_start3A_502] : memref<4096x56x128xf32, #tpu.memory_space<hbm>> -> memref<1x50x64xf32, #tpu.memory_space<hbm>>
      %dma_start3A_504 = tpu.memref_squeeze %dma_start3A_503 : memref<1x50x64xf32, #tpu.memory_space<hbm>> -> memref<50x64xf32, #tpu.memory_space<hbm>>
      %dma_start3A_505 = arith.constant 0 : i32
      %dma_start3A_506 = arith.constant 0 : i32
      %dma_start3A_507 = tpu.memref_slice %arg6[%dma_start3A_489, %dma_start3A_505, %dma_start3A_506] : memref<8x50x64xf32, #tpu.memory_space<vmem>> -> memref<1x50x64xf32, #tpu.memory_space<vmem>>
      %dma_start3A_508 = tpu.memref_squeeze %dma_start3A_507 : memref<1x50x64xf32, #tpu.memory_space<vmem>> -> memref<50x64xf32, #tpu.memory_space<vmem>>
      tpu.enqueue_dma source(%dma_start3A_508 : memref<50x64xf32, #tpu.memory_space<vmem>>) target(%dma_start3A_504 : memref<50x64xf32, #tpu.memory_space<hbm>>) target_semaphore(%dma_start3A_500 : memref<!tpu.dma_semaphore, #tpu.memory_space<semaphore_mem>>)
      %dma_wait3A_509 = arith.constant 5 : i32
      %dma_wait3A_510 = arith.constant 5 : i32
      %dma_wait3A_511 = arith.constant 0 : i32
      %dma_wait3A_512 = arith.constant 0 : i32
      %dma_wait3A_513 = tpu.memref_slice %arg6[%dma_wait3A_509, %dma_wait3A_511, %dma_wait3A_512] : memref<8x50x64xf32, #tpu.memory_space<vmem>> -> memref<1x50x64xf32, #tpu.memory_space<vmem>>
      %dma_wait3A_514 = tpu.memref_squeeze %dma_wait3A_513 : memref<1x50x64xf32, #tpu.memory_space<vmem>> -> memref<50x64xf32, #tpu.memory_space<vmem>>
      %dma_wait3A_515 = tpu.memref_slice %arg5[%mul3A_279] : memref<7168xi32, #tpu.memory_space<vmem>> -> memref<50xi32, #tpu.memory_space<vmem>>
      %dma_wait3A_516 = arith.constant 0 : i32
      %dma_wait3A_517 = arith.constant 0 : i32
      %dma_wait3A_518 = tpu.memref_slice %arg3[%dma_wait3A_516, %dma_wait3A_517] : memref<100000x64xf32, #tpu.memory_space<hbm>> -> memref<100000x64xf32, #tpu.memory_space<hbm>>
      %dma_wait3A_519 = tpu.memref_slice %arg7[%dma_wait3A_510] : memref<8x!tpu.dma_semaphore, #tpu.memory_space<semaphore_mem>> -> memref<1x!tpu.dma_semaphore, #tpu.memory_space<semaphore_mem>>
      %dma_wait3A_520 = tpu.memref_squeeze %dma_wait3A_519 : memref<1x!tpu.dma_semaphore, #tpu.memory_space<semaphore_mem>> -> memref<!tpu.dma_semaphore, #tpu.memory_space<semaphore_mem>>
      tpu.wait_indirect_dma semaphore(%dma_wait3A_520 : memref<!tpu.dma_semaphore, #tpu.memory_space<semaphore_mem>>) src(%dma_wait3A_518 : memref<100000x64xf32, #tpu.memory_space<hbm>>) dst(%dma_wait3A_514 : memref<50x64xf32, #tpu.memory_space<vmem>>)
      %add3A_521 = arith.addi %mul3A_2, %mul3A_169 : i32
      %add3A_522 = arith.constant 5 : i32
      %add3A_523 = arith.addi %add3A_521, %add3A_522 : i32
      %dma_start3A_524 = arith.constant 5 : i32
      %dma_start3A_525 = arith.constant 5 : i32
      %dma_start3A_526 = arith.constant 0 : i32
      %dma_start3A_527 = arith.constant 0 : i32
      %dma_start3A_528 = tpu.memref_slice %arg6[%dma_start3A_524, %dma_start3A_526, %dma_start3A_527] : memref<8x50x64xf32, #tpu.memory_space<vmem>> -> memref<1x50x64xf32, #tpu.memory_space<vmem>>
      %dma_start3A_529 = tpu.memref_squeeze %dma_start3A_528 : memref<1x50x64xf32, #tpu.memory_space<vmem>> -> memref<50x64xf32, #tpu.memory_space<vmem>>
      %dma_start3A_530 = arith.constant 0 : i32
      %dma_start3A_531 = arith.constant 0 : i32
      %dma_start3A_532 = tpu.memref_slice %arg4[%add3A_523, %dma_start3A_530, %dma_start3A_531] : memref<4096x56x128xf32, #tpu.memory_space<hbm>> -> memref<1x50x64xf32, #tpu.memory_space<hbm>>
      %dma_start3A_533 = tpu.memref_squeeze %dma_start3A_532 : memref<1x50x64xf32, #tpu.memory_space<hbm>> -> memref<50x64xf32, #tpu.memory_space<hbm>>
      %dma_start3A_534 = tpu.memref_slice %arg8[%dma_start3A_525] : memref<8x!tpu.dma_semaphore, #tpu.memory_space<semaphore_mem>> -> memref<1x!tpu.dma_semaphore, #tpu.memory_space<semaphore_mem>>
      %dma_start3A_535 = tpu.memref_squeeze %dma_start3A_534 : memref<1x!tpu.dma_semaphore, #tpu.memory_space<semaphore_mem>> -> memref<!tpu.dma_semaphore, #tpu.memory_space<semaphore_mem>>
      %dma_start3A_536 = arith.constant 0 : i32
      %dma_start3A_537 = arith.constant 0 : i32
      %dma_start3A_538 = tpu.memref_slice %arg4[%add3A_523, %dma_start3A_536, %dma_start3A_537] : memref<4096x56x128xf32, #tpu.memory_space<hbm>> -> memref<1x50x64xf32, #tpu.memory_space<hbm>>
      %dma_start3A_539 = tpu.memref_squeeze %dma_start3A_538 : memref<1x50x64xf32, #tpu.memory_space<hbm>> -> memref<50x64xf32, #tpu.memory_space<hbm>>
      %dma_start3A_540 = arith.constant 0 : i32
      %dma_start3A_541 = arith.constant 0 : i32
      %dma_start3A_542 = tpu.memref_slice %arg6[%dma_start3A_524, %dma_start3A_540, %dma_start3A_541] : memref<8x50x64xf32, #tpu.memory_space<vmem>> -> memref<1x50x64xf32, #tpu.memory_space<vmem>>
      %dma_start3A_543 = tpu.memref_squeeze %dma_start3A_542 : memref<1x50x64xf32, #tpu.memory_space<vmem>> -> memref<50x64xf32, #tpu.memory_space<vmem>>
      tpu.enqueue_dma source(%dma_start3A_543 : memref<50x64xf32, #tpu.memory_space<vmem>>) target(%dma_start3A_539 : memref<50x64xf32, #tpu.memory_space<hbm>>) target_semaphore(%dma_start3A_535 : memref<!tpu.dma_semaphore, #tpu.memory_space<semaphore_mem>>)
      %dma_wait3A_544 = arith.constant 6 : i32
      %dma_wait3A_545 = arith.constant 6 : i32
      %dma_wait3A_546 = arith.constant 0 : i32
      %dma_wait3A_547 = arith.constant 0 : i32
      %dma_wait3A_548 = tpu.memref_slice %arg6[%dma_wait3A_544, %dma_wait3A_546, %dma_wait3A_547] : memref<8x50x64xf32, #tpu.memory_space<vmem>> -> memref<1x50x64xf32, #tpu.memory_space<vmem>>
      %dma_wait3A_549 = tpu.memref_squeeze %dma_wait3A_548 : memref<1x50x64xf32, #tpu.memory_space<vmem>> -> memref<50x64xf32, #tpu.memory_space<vmem>>
      %dma_wait3A_550 = tpu.memref_slice %arg5[%mul3A_300] : memref<7168xi32, #tpu.memory_space<vmem>> -> memref<50xi32, #tpu.memory_space<vmem>>
      %dma_wait3A_551 = arith.constant 0 : i32
      %dma_wait3A_552 = arith.constant 0 : i32
      %dma_wait3A_553 = tpu.memref_slice %arg3[%dma_wait3A_551, %dma_wait3A_552] : memref<100000x64xf32, #tpu.memory_space<hbm>> -> memref<100000x64xf32, #tpu.memory_space<hbm>>
      %dma_wait3A_554 = tpu.memref_slice %arg7[%dma_wait3A_545] : memref<8x!tpu.dma_semaphore, #tpu.memory_space<semaphore_mem>> -> memref<1x!tpu.dma_semaphore, #tpu.memory_space<semaphore_mem>>
      %dma_wait3A_555 = tpu.memref_squeeze %dma_wait3A_554 : memref<1x!tpu.dma_semaphore, #tpu.memory_space<semaphore_mem>> -> memref<!tpu.dma_semaphore, #tpu.memory_space<semaphore_mem>>
      tpu.wait_indirect_dma semaphore(%dma_wait3A_555 : memref<!tpu.dma_semaphore, #tpu.memory_space<semaphore_mem>>) src(%dma_wait3A_553 : memref<100000x64xf32, #tpu.memory_space<hbm>>) dst(%dma_wait3A_549 : memref<50x64xf32, #tpu.memory_space<vmem>>)
      %add3A_556 = arith.addi %mul3A_2, %mul3A_169 : i32
      %add3A_557 = arith.constant 6 : i32
      %add3A_558 = arith.addi %add3A_556, %add3A_557 : i32
      %dma_start3A_559 = arith.constant 6 : i32
      %dma_start3A_560 = arith.constant 6 : i32
      %dma_start3A_561 = arith.constant 0 : i32
      %dma_start3A_562 = arith.constant 0 : i32
      %dma_start3A_563 = tpu.memref_slice %arg6[%dma_start3A_559, %dma_start3A_561, %dma_start3A_562] : memref<8x50x64xf32, #tpu.memory_space<vmem>> -> memref<1x50x64xf32, #tpu.memory_space<vmem>>
      %dma_start3A_564 = tpu.memref_squeeze %dma_start3A_563 : memref<1x50x64xf32, #tpu.memory_space<vmem>> -> memref<50x64xf32, #tpu.memory_space<vmem>>
      %dma_start3A_565 = arith.constant 0 : i32
      %dma_start3A_566 = arith.constant 0 : i32
      %dma_start3A_567 = tpu.memref_slice %arg4[%add3A_558, %dma_start3A_565, %dma_start3A_566] : memref<4096x56x128xf32, #tpu.memory_space<hbm>> -> memref<1x50x64xf32, #tpu.memory_space<hbm>>
      %dma_start3A_568 = tpu.memref_squeeze %dma_start3A_567 : memref<1x50x64xf32, #tpu.memory_space<hbm>> -> memref<50x64xf32, #tpu.memory_space<hbm>>
      %dma_start3A_569 = tpu.memref_slice %arg8[%dma_start3A_560] : memref<8x!tpu.dma_semaphore, #tpu.memory_space<semaphore_mem>> -> memref<1x!tpu.dma_semaphore, #tpu.memory_space<semaphore_mem>>
      %dma_start3A_570 = tpu.memref_squeeze %dma_start3A_569 : memref<1x!tpu.dma_semaphore, #tpu.memory_space<semaphore_mem>> -> memref<!tpu.dma_semaphore, #tpu.memory_space<semaphore_mem>>
      %dma_start3A_571 = arith.constant 0 : i32
      %dma_start3A_572 = arith.constant 0 : i32
      %dma_start3A_573 = tpu.memref_slice %arg4[%add3A_558, %dma_start3A_571, %dma_start3A_572] : memref<4096x56x128xf32, #tpu.memory_space<hbm>> -> memref<1x50x64xf32, #tpu.memory_space<hbm>>
      %dma_start3A_574 = tpu.memref_squeeze %dma_start3A_573 : memref<1x50x64xf32, #tpu.memory_space<hbm>> -> memref<50x64xf32, #tpu.memory_space<hbm>>
      %dma_start3A_575 = arith.constant 0 : i32
      %dma_start3A_576 = arith.constant 0 : i32
      %dma_start3A_577 = tpu.memref_slice %arg6[%dma_start3A_559, %dma_start3A_575, %dma_start3A_576] : memref<8x50x64xf32, #tpu.memory_space<vmem>> -> memref<1x50x64xf32, #tpu.memory_space<vmem>>
      %dma_start3A_578 = tpu.memref_squeeze %dma_start3A_577 : memref<1x50x64xf32, #tpu.memory_space<vmem>> -> memref<50x64xf32, #tpu.memory_space<vmem>>
      tpu.enqueue_dma source(%dma_start3A_578 : memref<50x64xf32, #tpu.memory_space<vmem>>) target(%dma_start3A_574 : memref<50x64xf32, #tpu.memory_space<hbm>>) target_semaphore(%dma_start3A_570 : memref<!tpu.dma_semaphore, #tpu.memory_space<semaphore_mem>>)
      %dma_wait3A_579 = arith.constant 7 : i32
      %dma_wait3A_580 = arith.constant 7 : i32
      %dma_wait3A_581 = arith.constant 0 : i32
      %dma_wait3A_582 = arith.constant 0 : i32
      %dma_wait3A_583 = tpu.memref_slice %arg6[%dma_wait3A_579, %dma_wait3A_581, %dma_wait3A_582] : memref<8x50x64xf32, #tpu.memory_space<vmem>> -> memref<1x50x64xf32, #tpu.memory_space<vmem>>
      %dma_wait3A_584 = tpu.memref_squeeze %dma_wait3A_583 : memref<1x50x64xf32, #tpu.memory_space<vmem>> -> memref<50x64xf32, #tpu.memory_space<vmem>>
      %dma_wait3A_585 = tpu.memref_slice %arg5[%mul3A_321] : memref<7168xi32, #tpu.memory_space<vmem>> -> memref<50xi32, #tpu.memory_space<vmem>>
      %dma_wait3A_586 = arith.constant 0 : i32
      %dma_wait3A_587 = arith.constant 0 : i32
      %dma_wait3A_588 = tpu.memref_slice %arg3[%dma_wait3A_586, %dma_wait3A_587] : memref<100000x64xf32, #tpu.memory_space<hbm>> -> memref<100000x64xf32, #tpu.memory_space<hbm>>
      %dma_wait3A_589 = tpu.memref_slice %arg7[%dma_wait3A_580] : memref<8x!tpu.dma_semaphore, #tpu.memory_space<semaphore_mem>> -> memref<1x!tpu.dma_semaphore, #tpu.memory_space<semaphore_mem>>
      %dma_wait3A_590 = tpu.memref_squeeze %dma_wait3A_589 : memref<1x!tpu.dma_semaphore, #tpu.memory_space<semaphore_mem>> -> memref<!tpu.dma_semaphore, #tpu.memory_space<semaphore_mem>>
      tpu.wait_indirect_dma semaphore(%dma_wait3A_590 : memref<!tpu.dma_semaphore, #tpu.memory_space<semaphore_mem>>) src(%dma_wait3A_588 : memref<100000x64xf32, #tpu.memory_space<hbm>>) dst(%dma_wait3A_584 : memref<50x64xf32, #tpu.memory_space<vmem>>)
      %add3A_591 = arith.addi %mul3A_2, %mul3A_169 : i32
      %add3A_592 = arith.constant 7 : i32
      %add3A_593 = arith.addi %add3A_591, %add3A_592 : i32
      %dma_start3A_594 = arith.constant 7 : i32
      %dma_start3A_595 = arith.constant 7 : i32
      %dma_start3A_596 = arith.constant 0 : i32
      %dma_start3A_597 = arith.constant 0 : i32
      %dma_start3A_598 = tpu.memref_slice %arg6[%dma_start3A_594, %dma_start3A_596, %dma_start3A_597] : memref<8x50x64xf32, #tpu.memory_space<vmem>> -> memref<1x50x64xf32, #tpu.memory_space<vmem>>
      %dma_start3A_599 = tpu.memref_squeeze %dma_start3A_598 : memref<1x50x64xf32, #tpu.memory_space<vmem>> -> memref<50x64xf32, #tpu.memory_space<vmem>>
      %dma_start3A_600 = arith.constant 0 : i32
      %dma_start3A_601 = arith.constant 0 : i32
      %dma_start3A_602 = tpu.memref_slice %arg4[%add3A_593, %dma_start3A_600, %dma_start3A_601] : memref<4096x56x128xf32, #tpu.memory_space<hbm>> -> memref<1x50x64xf32, #tpu.memory_space<hbm>>
      %dma_start3A_603 = tpu.memref_squeeze %dma_start3A_602 : memref<1x50x64xf32, #tpu.memory_space<hbm>> -> memref<50x64xf32, #tpu.memory_space<hbm>>
      %dma_start3A_604 = tpu.memref_slice %arg8[%dma_start3A_595] : memref<8x!tpu.dma_semaphore, #tpu.memory_space<semaphore_mem>> -> memref<1x!tpu.dma_semaphore, #tpu.memory_space<semaphore_mem>>
      %dma_start3A_605 = tpu.memref_squeeze %dma_start3A_604 : memref<1x!tpu.dma_semaphore, #tpu.memory_space<semaphore_mem>> -> memref<!tpu.dma_semaphore, #tpu.memory_space<semaphore_mem>>
      %dma_start3A_606 = arith.constant 0 : i32
      %dma_start3A_607 = arith.constant 0 : i32
      %dma_start3A_608 = tpu.memref_slice %arg4[%add3A_593, %dma_start3A_606, %dma_start3A_607] : memref<4096x56x128xf32, #tpu.memory_space<hbm>> -> memref<1x50x64xf32, #tpu.memory_space<hbm>>
      %dma_start3A_609 = tpu.memref_squeeze %dma_start3A_608 : memref<1x50x64xf32, #tpu.memory_space<hbm>> -> memref<50x64xf32, #tpu.memory_space<hbm>>
      %dma_start3A_610 = arith.constant 0 : i32
      %dma_start3A_611 = arith.constant 0 : i32
      %dma_start3A_612 = tpu.memref_slice %arg6[%dma_start3A_594, %dma_start3A_610, %dma_start3A_611] : memref<8x50x64xf32, #tpu.memory_space<vmem>> -> memref<1x50x64xf32, #tpu.memory_space<vmem>>
      %dma_start3A_613 = tpu.memref_squeeze %dma_start3A_612 : memref<1x50x64xf32, #tpu.memory_space<vmem>> -> memref<50x64xf32, #tpu.memory_space<vmem>>
      tpu.enqueue_dma source(%dma_start3A_613 : memref<50x64xf32, #tpu.memory_space<vmem>>) target(%dma_start3A_609 : memref<50x64xf32, #tpu.memory_space<hbm>>) target_semaphore(%dma_start3A_605 : memref<!tpu.dma_semaphore, #tpu.memory_space<semaphore_mem>>)
    }
    %scan3A_7 = arith.constant 16 : i32
    %dma_wait3A = arith.constant 0 : i32
    %dma_wait3A_8 = arith.constant 0 : i32
    %dma_wait3A_9 = arith.constant 0 : i32
    %dma_wait3A_10 = arith.constant 0 : i32
    %dma_wait3A_11 = tpu.memref_slice %arg6[%dma_wait3A, %dma_wait3A_9, %dma_wait3A_10] : memref<8x50x64xf32, #tpu.memory_space<vmem>> -> memref<1x50x64xf32, #tpu.memory_space<vmem>>
    %dma_wait3A_12 = tpu.memref_squeeze %dma_wait3A_11 : memref<1x50x64xf32, #tpu.memory_space<vmem>> -> memref<50x64xf32, #tpu.memory_space<vmem>>
    %dma_wait3A_13 = arith.constant 0 : i32
    %dma_wait3A_14 = arith.constant 0 : i32
    %dma_wait3A_15 = tpu.memref_slice %arg4[%mul3A_2, %dma_wait3A_13, %dma_wait3A_14] : memref<4096x56x128xf32, #tpu.memory_space<hbm>> -> memref<1x50x64xf32, #tpu.memory_space<hbm>>
    %dma_wait3A_16 = tpu.memref_squeeze %dma_wait3A_15 : memref<1x50x64xf32, #tpu.memory_space<hbm>> -> memref<50x64xf32, #tpu.memory_space<hbm>>
    %dma_wait3A_17 = tpu.memref_slice %arg8[%dma_wait3A_8] : memref<8x!tpu.dma_semaphore, #tpu.memory_space<semaphore_mem>> -> memref<1x!tpu.dma_semaphore, #tpu.memory_space<semaphore_mem>>
    %dma_wait3A_18 = tpu.memref_squeeze %dma_wait3A_17 : memref<1x!tpu.dma_semaphore, #tpu.memory_space<semaphore_mem>> -> memref<!tpu.dma_semaphore, #tpu.memory_space<semaphore_mem>>
    %dma_wait3A_19 = arith.constant 0 : i32
    %dma_wait3A_20 = arith.constant 0 : i32
    %dma_wait3A_21 = tpu.memref_slice %arg4[%mul3A_2, %dma_wait3A_19, %dma_wait3A_20] : memref<4096x56x128xf32, #tpu.memory_space<hbm>> -> memref<1x50x64xf32, #tpu.memory_space<hbm>>
    %dma_wait3A_22 = tpu.memref_squeeze %dma_wait3A_21 : memref<1x50x64xf32, #tpu.memory_space<hbm>> -> memref<50x64xf32, #tpu.memory_space<hbm>>
    %dma_wait3A_23 = arith.constant 0 : i32
    %dma_wait3A_24 = arith.constant 0 : i32
    %dma_wait3A_25 = tpu.memref_slice %arg6[%dma_wait3A, %dma_wait3A_23, %dma_wait3A_24] : memref<8x50x64xf32, #tpu.memory_space<vmem>> -> memref<1x50x64xf32, #tpu.memory_space<vmem>>
    %dma_wait3A_26 = tpu.memref_squeeze %dma_wait3A_25 : memref<1x50x64xf32, #tpu.memory_space<vmem>> -> memref<50x64xf32, #tpu.memory_space<vmem>>
    tpu.wait_dma2 semaphore(%dma_wait3A_18 : memref<!tpu.dma_semaphore, #tpu.memory_space<semaphore_mem>>) src(%dma_wait3A_26 : memref<50x64xf32, #tpu.memory_space<vmem>>) dst(%dma_wait3A_22 : memref<50x64xf32, #tpu.memory_space<hbm>>)
    %dma_wait3A_27 = arith.constant 1 : i32
    %dma_wait3A_28 = arith.constant 1 : i32
    %dma_wait3A_29 = arith.constant 0 : i32
    %dma_wait3A_30 = arith.constant 0 : i32
    %dma_wait3A_31 = tpu.memref_slice %arg6[%dma_wait3A_27, %dma_wait3A_29, %dma_wait3A_30] : memref<8x50x64xf32, #tpu.memory_space<vmem>> -> memref<1x50x64xf32, #tpu.memory_space<vmem>>
    %dma_wait3A_32 = tpu.memref_squeeze %dma_wait3A_31 : memref<1x50x64xf32, #tpu.memory_space<vmem>> -> memref<50x64xf32, #tpu.memory_space<vmem>>
    %dma_wait3A_33 = arith.constant 0 : i32
    %dma_wait3A_34 = arith.constant 0 : i32
    %dma_wait3A_35 = tpu.memref_slice %arg4[%mul3A_2, %dma_wait3A_33, %dma_wait3A_34] : memref<4096x56x128xf32, #tpu.memory_space<hbm>> -> memref<1x50x64xf32, #tpu.memory_space<hbm>>
    %dma_wait3A_36 = tpu.memref_squeeze %dma_wait3A_35 : memref<1x50x64xf32, #tpu.memory_space<hbm>> -> memref<50x64xf32, #tpu.memory_space<hbm>>
    %dma_wait3A_37 = tpu.memref_slice %arg8[%dma_wait3A_28] : memref<8x!tpu.dma_semaphore, #tpu.memory_space<semaphore_mem>> -> memref<1x!tpu.dma_semaphore, #tpu.memory_space<semaphore_mem>>
    %dma_wait3A_38 = tpu.memref_squeeze %dma_wait3A_37 : memref<1x!tpu.dma_semaphore, #tpu.memory_space<semaphore_mem>> -> memref<!tpu.dma_semaphore, #tpu.memory_space<semaphore_mem>>
    %dma_wait3A_39 = arith.constant 0 : i32
    %dma_wait3A_40 = arith.constant 0 : i32
    %dma_wait3A_41 = tpu.memref_slice %arg4[%mul3A_2, %dma_wait3A_39, %dma_wait3A_40] : memref<4096x56x128xf32, #tpu.memory_space<hbm>> -> memref<1x50x64xf32, #tpu.memory_space<hbm>>
    %dma_wait3A_42 = tpu.memref_squeeze %dma_wait3A_41 : memref<1x50x64xf32, #tpu.memory_space<hbm>> -> memref<50x64xf32, #tpu.memory_space<hbm>>
    %dma_wait3A_43 = arith.constant 0 : i32
    %dma_wait3A_44 = arith.constant 0 : i32
    %dma_wait3A_45 = tpu.memref_slice %arg6[%dma_wait3A_27, %dma_wait3A_43, %dma_wait3A_44] : memref<8x50x64xf32, #tpu.memory_space<vmem>> -> memref<1x50x64xf32, #tpu.memory_space<vmem>>
    %dma_wait3A_46 = tpu.memref_squeeze %dma_wait3A_45 : memref<1x50x64xf32, #tpu.memory_space<vmem>> -> memref<50x64xf32, #tpu.memory_space<vmem>>
    tpu.wait_dma2 semaphore(%dma_wait3A_38 : memref<!tpu.dma_semaphore, #tpu.memory_space<semaphore_mem>>) src(%dma_wait3A_46 : memref<50x64xf32, #tpu.memory_space<vmem>>) dst(%dma_wait3A_42 : memref<50x64xf32, #tpu.memory_space<hbm>>)
    %dma_wait3A_47 = arith.constant 2 : i32
    %dma_wait3A_48 = arith.constant 2 : i32
    %dma_wait3A_49 = arith.constant 0 : i32
    %dma_wait3A_50 = arith.constant 0 : i32
    %dma_wait3A_51 = tpu.memref_slice %arg6[%dma_wait3A_47, %dma_wait3A_49, %dma_wait3A_50] : memref<8x50x64xf32, #tpu.memory_space<vmem>> -> memref<1x50x64xf32, #tpu.memory_space<vmem>>
    %dma_wait3A_52 = tpu.memref_squeeze %dma_wait3A_51 : memref<1x50x64xf32, #tpu.memory_space<vmem>> -> memref<50x64xf32, #tpu.memory_space<vmem>>
    %dma_wait3A_53 = arith.constant 0 : i32
    %dma_wait3A_54 = arith.constant 0 : i32
    %dma_wait3A_55 = tpu.memref_slice %arg4[%mul3A_2, %dma_wait3A_53, %dma_wait3A_54] : memref<4096x56x128xf32, #tpu.memory_space<hbm>> -> memref<1x50x64xf32, #tpu.memory_space<hbm>>
    %dma_wait3A_56 = tpu.memref_squeeze %dma_wait3A_55 : memref<1x50x64xf32, #tpu.memory_space<hbm>> -> memref<50x64xf32, #tpu.memory_space<hbm>>
    %dma_wait3A_57 = tpu.memref_slice %arg8[%dma_wait3A_48] : memref<8x!tpu.dma_semaphore, #tpu.memory_space<semaphore_mem>> -> memref<1x!tpu.dma_semaphore, #tpu.memory_space<semaphore_mem>>
    %dma_wait3A_58 = tpu.memref_squeeze %dma_wait3A_57 : memref<1x!tpu.dma_semaphore, #tpu.memory_space<semaphore_mem>> -> memref<!tpu.dma_semaphore, #tpu.memory_space<semaphore_mem>>
    %dma_wait3A_59 = arith.constant 0 : i32
    %dma_wait3A_60 = arith.constant 0 : i32
    %dma_wait3A_61 = tpu.memref_slice %arg4[%mul3A_2, %dma_wait3A_59, %dma_wait3A_60] : memref<4096x56x128xf32, #tpu.memory_space<hbm>> -> memref<1x50x64xf32, #tpu.memory_space<hbm>>
    %dma_wait3A_62 = tpu.memref_squeeze %dma_wait3A_61 : memref<1x50x64xf32, #tpu.memory_space<hbm>> -> memref<50x64xf32, #tpu.memory_space<hbm>>
    %dma_wait3A_63 = arith.constant 0 : i32
    %dma_wait3A_64 = arith.constant 0 : i32
    %dma_wait3A_65 = tpu.memref_slice %arg6[%dma_wait3A_47, %dma_wait3A_63, %dma_wait3A_64] : memref<8x50x64xf32, #tpu.memory_space<vmem>> -> memref<1x50x64xf32, #tpu.memory_space<vmem>>
    %dma_wait3A_66 = tpu.memref_squeeze %dma_wait3A_65 : memref<1x50x64xf32, #tpu.memory_space<vmem>> -> memref<50x64xf32, #tpu.memory_space<vmem>>
    tpu.wait_dma2 semaphore(%dma_wait3A_58 : memref<!tpu.dma_semaphore, #tpu.memory_space<semaphore_mem>>) src(%dma_wait3A_66 : memref<50x64xf32, #tpu.memory_space<vmem>>) dst(%dma_wait3A_62 : memref<50x64xf32, #tpu.memory_space<hbm>>)
    %dma_wait3A_67 = arith.constant 3 : i32
    %dma_wait3A_68 = arith.constant 3 : i32
    %dma_wait3A_69 = arith.constant 0 : i32
    %dma_wait3A_70 = arith.constant 0 : i32
    %dma_wait3A_71 = tpu.memref_slice %arg6[%dma_wait3A_67, %dma_wait3A_69, %dma_wait3A_70] : memref<8x50x64xf32, #tpu.memory_space<vmem>> -> memref<1x50x64xf32, #tpu.memory_space<vmem>>
    %dma_wait3A_72 = tpu.memref_squeeze %dma_wait3A_71 : memref<1x50x64xf32, #tpu.memory_space<vmem>> -> memref<50x64xf32, #tpu.memory_space<vmem>>
    %dma_wait3A_73 = arith.constant 0 : i32
    %dma_wait3A_74 = arith.constant 0 : i32
    %dma_wait3A_75 = tpu.memref_slice %arg4[%mul3A_2, %dma_wait3A_73, %dma_wait3A_74] : memref<4096x56x128xf32, #tpu.memory_space<hbm>> -> memref<1x50x64xf32, #tpu.memory_space<hbm>>
    %dma_wait3A_76 = tpu.memref_squeeze %dma_wait3A_75 : memref<1x50x64xf32, #tpu.memory_space<hbm>> -> memref<50x64xf32, #tpu.memory_space<hbm>>
    %dma_wait3A_77 = tpu.memref_slice %arg8[%dma_wait3A_68] : memref<8x!tpu.dma_semaphore, #tpu.memory_space<semaphore_mem>> -> memref<1x!tpu.dma_semaphore, #tpu.memory_space<semaphore_mem>>
    %dma_wait3A_78 = tpu.memref_squeeze %dma_wait3A_77 : memref<1x!tpu.dma_semaphore, #tpu.memory_space<semaphore_mem>> -> memref<!tpu.dma_semaphore, #tpu.memory_space<semaphore_mem>>
    %dma_wait3A_79 = arith.constant 0 : i32
    %dma_wait3A_80 = arith.constant 0 : i32
    %dma_wait3A_81 = tpu.memref_slice %arg4[%mul3A_2, %dma_wait3A_79, %dma_wait3A_80] : memref<4096x56x128xf32, #tpu.memory_space<hbm>> -> memref<1x50x64xf32, #tpu.memory_space<hbm>>
    %dma_wait3A_82 = tpu.memref_squeeze %dma_wait3A_81 : memref<1x50x64xf32, #tpu.memory_space<hbm>> -> memref<50x64xf32, #tpu.memory_space<hbm>>
    %dma_wait3A_83 = arith.constant 0 : i32
    %dma_wait3A_84 = arith.constant 0 : i32
    %dma_wait3A_85 = tpu.memref_slice %arg6[%dma_wait3A_67, %dma_wait3A_83, %dma_wait3A_84] : memref<8x50x64xf32, #tpu.memory_space<vmem>> -> memref<1x50x64xf32, #tpu.memory_space<vmem>>
    %dma_wait3A_86 = tpu.memref_squeeze %dma_wait3A_85 : memref<1x50x64xf32, #tpu.memory_space<vmem>> -> memref<50x64xf32, #tpu.memory_space<vmem>>
    tpu.wait_dma2 semaphore(%dma_wait3A_78 : memref<!tpu.dma_semaphore, #tpu.memory_space<semaphore_mem>>) src(%dma_wait3A_86 : memref<50x64xf32, #tpu.memory_space<vmem>>) dst(%dma_wait3A_82 : memref<50x64xf32, #tpu.memory_space<hbm>>)
    %dma_wait3A_87 = arith.constant 4 : i32
    %dma_wait3A_88 = arith.constant 4 : i32
    %dma_wait3A_89 = arith.constant 0 : i32
    %dma_wait3A_90 = arith.constant 0 : i32
    %dma_wait3A_91 = tpu.memref_slice %arg6[%dma_wait3A_87, %dma_wait3A_89, %dma_wait3A_90] : memref<8x50x64xf32, #tpu.memory_space<vmem>> -> memref<1x50x64xf32, #tpu.memory_space<vmem>>
    %dma_wait3A_92 = tpu.memref_squeeze %dma_wait3A_91 : memref<1x50x64xf32, #tpu.memory_space<vmem>> -> memref<50x64xf32, #tpu.memory_space<vmem>>
    %dma_wait3A_93 = arith.constant 0 : i32
    %dma_wait3A_94 = arith.constant 0 : i32
    %dma_wait3A_95 = tpu.memref_slice %arg4[%mul3A_2, %dma_wait3A_93, %dma_wait3A_94] : memref<4096x56x128xf32, #tpu.memory_space<hbm>> -> memref<1x50x64xf32, #tpu.memory_space<hbm>>
    %dma_wait3A_96 = tpu.memref_squeeze %dma_wait3A_95 : memref<1x50x64xf32, #tpu.memory_space<hbm>> -> memref<50x64xf32, #tpu.memory_space<hbm>>
    %dma_wait3A_97 = tpu.memref_slice %arg8[%dma_wait3A_88] : memref<8x!tpu.dma_semaphore, #tpu.memory_space<semaphore_mem>> -> memref<1x!tpu.dma_semaphore, #tpu.memory_space<semaphore_mem>>
    %dma_wait3A_98 = tpu.memref_squeeze %dma_wait3A_97 : memref<1x!tpu.dma_semaphore, #tpu.memory_space<semaphore_mem>> -> memref<!tpu.dma_semaphore, #tpu.memory_space<semaphore_mem>>
    %dma_wait3A_99 = arith.constant 0 : i32
    %dma_wait3A_100 = arith.constant 0 : i32
    %dma_wait3A_101 = tpu.memref_slice %arg4[%mul3A_2, %dma_wait3A_99, %dma_wait3A_100] : memref<4096x56x128xf32, #tpu.memory_space<hbm>> -> memref<1x50x64xf32, #tpu.memory_space<hbm>>
    %dma_wait3A_102 = tpu.memref_squeeze %dma_wait3A_101 : memref<1x50x64xf32, #tpu.memory_space<hbm>> -> memref<50x64xf32, #tpu.memory_space<hbm>>
    %dma_wait3A_103 = arith.constant 0 : i32
    %dma_wait3A_104 = arith.constant 0 : i32
    %dma_wait3A_105 = tpu.memref_slice %arg6[%dma_wait3A_87, %dma_wait3A_103, %dma_wait3A_104] : memref<8x50x64xf32, #tpu.memory_space<vmem>> -> memref<1x50x64xf32, #tpu.memory_space<vmem>>
    %dma_wait3A_106 = tpu.memref_squeeze %dma_wait3A_105 : memref<1x50x64xf32, #tpu.memory_space<vmem>> -> memref<50x64xf32, #tpu.memory_space<vmem>>
    tpu.wait_dma2 semaphore(%dma_wait3A_98 : memref<!tpu.dma_semaphore, #tpu.memory_space<semaphore_mem>>) src(%dma_wait3A_106 : memref<50x64xf32, #tpu.memory_space<vmem>>) dst(%dma_wait3A_102 : memref<50x64xf32, #tpu.memory_space<hbm>>)
    %dma_wait3A_107 = arith.constant 5 : i32
    %dma_wait3A_108 = arith.constant 5 : i32
    %dma_wait3A_109 = arith.constant 0 : i32
    %dma_wait3A_110 = arith.constant 0 : i32
    %dma_wait3A_111 = tpu.memref_slice %arg6[%dma_wait3A_107, %dma_wait3A_109, %dma_wait3A_110] : memref<8x50x64xf32, #tpu.memory_space<vmem>> -> memref<1x50x64xf32, #tpu.memory_space<vmem>>
    %dma_wait3A_112 = tpu.memref_squeeze %dma_wait3A_111 : memref<1x50x64xf32, #tpu.memory_space<vmem>> -> memref<50x64xf32, #tpu.memory_space<vmem>>
    %dma_wait3A_113 = arith.constant 0 : i32
    %dma_wait3A_114 = arith.constant 0 : i32
    %dma_wait3A_115 = tpu.memref_slice %arg4[%mul3A_2, %dma_wait3A_113, %dma_wait3A_114] : memref<4096x56x128xf32, #tpu.memory_space<hbm>> -> memref<1x50x64xf32, #tpu.memory_space<hbm>>
    %dma_wait3A_116 = tpu.memref_squeeze %dma_wait3A_115 : memref<1x50x64xf32, #tpu.memory_space<hbm>> -> memref<50x64xf32, #tpu.memory_space<hbm>>
    %dma_wait3A_117 = tpu.memref_slice %arg8[%dma_wait3A_108] : memref<8x!tpu.dma_semaphore, #tpu.memory_space<semaphore_mem>> -> memref<1x!tpu.dma_semaphore, #tpu.memory_space<semaphore_mem>>
    %dma_wait3A_118 = tpu.memref_squeeze %dma_wait3A_117 : memref<1x!tpu.dma_semaphore, #tpu.memory_space<semaphore_mem>> -> memref<!tpu.dma_semaphore, #tpu.memory_space<semaphore_mem>>
    %dma_wait3A_119 = arith.constant 0 : i32
    %dma_wait3A_120 = arith.constant 0 : i32
    %dma_wait3A_121 = tpu.memref_slice %arg4[%mul3A_2, %dma_wait3A_119, %dma_wait3A_120] : memref<4096x56x128xf32, #tpu.memory_space<hbm>> -> memref<1x50x64xf32, #tpu.memory_space<hbm>>
    %dma_wait3A_122 = tpu.memref_squeeze %dma_wait3A_121 : memref<1x50x64xf32, #tpu.memory_space<hbm>> -> memref<50x64xf32, #tpu.memory_space<hbm>>
    %dma_wait3A_123 = arith.constant 0 : i32
    %dma_wait3A_124 = arith.constant 0 : i32
    %dma_wait3A_125 = tpu.memref_slice %arg6[%dma_wait3A_107, %dma_wait3A_123, %dma_wait3A_124] : memref<8x50x64xf32, #tpu.memory_space<vmem>> -> memref<1x50x64xf32, #tpu.memory_space<vmem>>
    %dma_wait3A_126 = tpu.memref_squeeze %dma_wait3A_125 : memref<1x50x64xf32, #tpu.memory_space<vmem>> -> memref<50x64xf32, #tpu.memory_space<vmem>>
    tpu.wait_dma2 semaphore(%dma_wait3A_118 : memref<!tpu.dma_semaphore, #tpu.memory_space<semaphore_mem>>) src(%dma_wait3A_126 : memref<50x64xf32, #tpu.memory_space<vmem>>) dst(%dma_wait3A_122 : memref<50x64xf32, #tpu.memory_space<hbm>>)
    %dma_wait3A_127 = arith.constant 6 : i32
    %dma_wait3A_128 = arith.constant 6 : i32
    %dma_wait3A_129 = arith.constant 0 : i32
    %dma_wait3A_130 = arith.constant 0 : i32
    %dma_wait3A_131 = tpu.memref_slice %arg6[%dma_wait3A_127, %dma_wait3A_129, %dma_wait3A_130] : memref<8x50x64xf32, #tpu.memory_space<vmem>> -> memref<1x50x64xf32, #tpu.memory_space<vmem>>
    %dma_wait3A_132 = tpu.memref_squeeze %dma_wait3A_131 : memref<1x50x64xf32, #tpu.memory_space<vmem>> -> memref<50x64xf32, #tpu.memory_space<vmem>>
    %dma_wait3A_133 = arith.constant 0 : i32
    %dma_wait3A_134 = arith.constant 0 : i32
    %dma_wait3A_135 = tpu.memref_slice %arg4[%mul3A_2, %dma_wait3A_133, %dma_wait3A_134] : memref<4096x56x128xf32, #tpu.memory_space<hbm>> -> memref<1x50x64xf32, #tpu.memory_space<hbm>>
    %dma_wait3A_136 = tpu.memref_squeeze %dma_wait3A_135 : memref<1x50x64xf32, #tpu.memory_space<hbm>> -> memref<50x64xf32, #tpu.memory_space<hbm>>
    %dma_wait3A_137 = tpu.memref_slice %arg8[%dma_wait3A_128] : memref<8x!tpu.dma_semaphore, #tpu.memory_space<semaphore_mem>> -> memref<1x!tpu.dma_semaphore, #tpu.memory_space<semaphore_mem>>
    %dma_wait3A_138 = tpu.memref_squeeze %dma_wait3A_137 : memref<1x!tpu.dma_semaphore, #tpu.memory_space<semaphore_mem>> -> memref<!tpu.dma_semaphore, #tpu.memory_space<semaphore_mem>>
    %dma_wait3A_139 = arith.constant 0 : i32
    %dma_wait3A_140 = arith.constant 0 : i32
    %dma_wait3A_141 = tpu.memref_slice %arg4[%mul3A_2, %dma_wait3A_139, %dma_wait3A_140] : memref<4096x56x128xf32, #tpu.memory_space<hbm>> -> memref<1x50x64xf32, #tpu.memory_space<hbm>>
    %dma_wait3A_142 = tpu.memref_squeeze %dma_wait3A_141 : memref<1x50x64xf32, #tpu.memory_space<hbm>> -> memref<50x64xf32, #tpu.memory_space<hbm>>
    %dma_wait3A_143 = arith.constant 0 : i32
    %dma_wait3A_144 = arith.constant 0 : i32
    %dma_wait3A_145 = tpu.memref_slice %arg6[%dma_wait3A_127, %dma_wait3A_143, %dma_wait3A_144] : memref<8x50x64xf32, #tpu.memory_space<vmem>> -> memref<1x50x64xf32, #tpu.memory_space<vmem>>
    %dma_wait3A_146 = tpu.memref_squeeze %dma_wait3A_145 : memref<1x50x64xf32, #tpu.memory_space<vmem>> -> memref<50x64xf32, #tpu.memory_space<vmem>>
    tpu.wait_dma2 semaphore(%dma_wait3A_138 : memref<!tpu.dma_semaphore, #tpu.memory_space<semaphore_mem>>) src(%dma_wait3A_146 : memref<50x64xf32, #tpu.memory_space<vmem>>) dst(%dma_wait3A_142 : memref<50x64xf32, #tpu.memory_space<hbm>>)
    %dma_wait3A_147 = arith.constant 7 : i32
    %dma_wait3A_148 = arith.constant 7 : i32
    %dma_wait3A_149 = arith.constant 0 : i32
    %dma_wait3A_150 = arith.constant 0 : i32
    %dma_wait3A_151 = tpu.memref_slice %arg6[%dma_wait3A_147, %dma_wait3A_149, %dma_wait3A_150] : memref<8x50x64xf32, #tpu.memory_space<vmem>> -> memref<1x50x64xf32, #tpu.memory_space<vmem>>
    %dma_wait3A_152 = tpu.memref_squeeze %dma_wait3A_151 : memref<1x50x64xf32, #tpu.memory_space<vmem>> -> memref<50x64xf32, #tpu.memory_space<vmem>>
    %dma_wait3A_153 = arith.constant 0 : i32
    %dma_wait3A_154 = arith.constant 0 : i32
    %dma_wait3A_155 = tpu.memref_slice %arg4[%mul3A_2, %dma_wait3A_153, %dma_wait3A_154] : memref<4096x56x128xf32, #tpu.memory_space<hbm>> -> memref<1x50x64xf32, #tpu.memory_space<hbm>>
    %dma_wait3A_156 = tpu.memref_squeeze %dma_wait3A_155 : memref<1x50x64xf32, #tpu.memory_space<hbm>> -> memref<50x64xf32, #tpu.memory_space<hbm>>
    %dma_wait3A_157 = tpu.memref_slice %arg8[%dma_wait3A_148] : memref<8x!tpu.dma_semaphore, #tpu.memory_space<semaphore_mem>> -> memref<1x!tpu.dma_semaphore, #tpu.memory_space<semaphore_mem>>
    %dma_wait3A_158 = tpu.memref_squeeze %dma_wait3A_157 : memref<1x!tpu.dma_semaphore, #tpu.memory_space<semaphore_mem>> -> memref<!tpu.dma_semaphore, #tpu.memory_space<semaphore_mem>>
    %dma_wait3A_159 = arith.constant 0 : i32
    %dma_wait3A_160 = arith.constant 0 : i32
    %dma_wait3A_161 = tpu.memref_slice %arg4[%mul3A_2, %dma_wait3A_159, %dma_wait3A_160] : memref<4096x56x128xf32, #tpu.memory_space<hbm>> -> memref<1x50x64xf32, #tpu.memory_space<hbm>>
    %dma_wait3A_162 = tpu.memref_squeeze %dma_wait3A_161 : memref<1x50x64xf32, #tpu.memory_space<hbm>> -> memref<50x64xf32, #tpu.memory_space<hbm>>
    %dma_wait3A_163 = arith.constant 0 : i32
    %dma_wait3A_164 = arith.constant 0 : i32
    %dma_wait3A_165 = tpu.memref_slice %arg6[%dma_wait3A_147, %dma_wait3A_163, %dma_wait3A_164] : memref<8x50x64xf32, #tpu.memory_space<vmem>> -> memref<1x50x64xf32, #tpu.memory_space<vmem>>
    %dma_wait3A_166 = tpu.memref_squeeze %dma_wait3A_165 : memref<1x50x64xf32, #tpu.memory_space<vmem>> -> memref<50x64xf32, #tpu.memory_space<vmem>>
    tpu.wait_dma2 semaphore(%dma_wait3A_158 : memref<!tpu.dma_semaphore, #tpu.memory_space<semaphore_mem>>) src(%dma_wait3A_166 : memref<50x64xf32, #tpu.memory_space<vmem>>) dst(%dma_wait3A_162 : memref<50x64xf32, #tpu.memory_space<hbm>>)
    return
  }
}

</mosaic_0001>

<sc_bundles>
// kernel: kernel.3.cloned.1.call-start
scs
__scs_entry_jumppad:
0x0: {  	(pc) =	sbr.rel $0x88, $3  }
0x1: {  	(tag) =	ssettag $0x0;
	lr =	simm.s32 $0x1  }
0x2: {  	[smem:$0x3F9F] =	sst lr;
	_ =	strace $0xD0000000  }
0x3: {  	_ = 	snop  }
0x4: {  	_ = 	snop  }
0x5: {  	_ = 	snop  }
0x6: {  	_ = 	snop  }
0x7: {  	_ = 	snop  }
__scs_overlays_trampoline_lowered:
0x8: {  	[smem:$0x3FAE] =	sst s0  }
0x9: {  	[smem:$0x3FAF] =	sst s1  }
0xa: {  	[smem:$0x3FB0] =	sst s2  }
0xb: {  	[smem:$0x3FB1] =	sst s3  }
0xc: {  	[smem:$0x3FB2] =	sst s4  }
0xd: {  	[smem:$0x3FB3] =	sst s5  }
0xe: {  	[smem:$0x3FB4] =	sst s6  }
0xf: {  	[smem:$0x3FB5] =	sst s7  }
0x10: {  	[smem:$0x3FB6] =	sst s8  }
0x11: {  	[smem:$0x3FB7] =	sst s9;
	s0 =	simm.s32 @!p0 $0x0  }
0x12: {  	s1 =	sld [smem:$0x3F9D];
	s0 =	simm.s32 @p0 $0x1  }
0x13: {  	[smem:$0x3FB8] =	sst s0;
	s0 =	simm.s32 @!p1 $0x0  }
0x14: {  	s2 =	sld [smem:$0x3F9C];
	s0 =	simm.s32 @p1 $0x1  }
0x15: {  	[smem:$0x3FB9] =	sst s0;
	s0 =	simm.s32 @!p2 $0x0  }
0x16: {  	s3 =	sld [smem:$0x3FDB];
	s0 =	simm.s32 @p2 $0x1  }
0x17: {  	s4 =	simm.s32 $0x1BF5;
	[smem:$0x3FBB] =	sst s0  }
0x18: {  	s0 =	sld [smem:$0x3F9E];
	_ =	swait.ge [sflag:s4], $0x0  }
0x19: {  	s7 =	sld [smem:$0x3F9F]  }
0x1a: {  	s8 =	sadd.s32 $0xFFFFE003, lr  }
0x1b: {  	s9 =	sadd.s32 $0xFFFFFEF7, lr;
	s5 =	simm.s32 $0xFFFFFFFF;
	p2 =	slt.u32 s8, $0xFFFFF086  }
0x1c: {  	p1 =	slt.u32 s9, $0xF7A;
	s5 =	simm.s32 @!p2 $0x0  }
0x1d: {  	s5 =	simm.s32 @p1 $0x1;
	p0 =	seq.s32 s7, s2  }
0x1e: {  	s7 =	smul.u32 @!p0 $0xF7A, s2;
	p2 =	seq.s32 @!p0 s5, $0x0  }
0x1f: {  	s9 =	smul.u32 $0xF7A, s1;
	s8 =	simm.s32 @!p0 $0x1BF5;
	p2 =	por !p2, p0  }
0x20: {  	[sflag:s8] =	ssyncset.s32 @!p0 $0xFFFFF086;
	s6 =	sadd.s32 @!p0 s3, s7;
	s7 =	simm.s32 @!p0 $0x108  }
0x21: {  	s3 =	sadd.s32 s3, s9;
	s6 =	sadd.s32 @!p0 $0x88, s6;
	s7 =	simm.s32 @p2 $0x1082  }
0x22: {  	[simem:s7], [sflag:s8] =	dma.local @!p0 [hbm:s6], $0xF7A  }
0x23: {  	s9 =	sor.u32 $0xD0000000, s2;
	s6 =	simm.s32 $0x108;
	_ =	swait.ge @!p0 [sflag:s8], $0x0  }
0x24: {  	s3 =	sadd.s32 $0x88, s3;
	s6 =	simm.s32 @!p1 $0x1082;
	[sflag:s4] =	ssyncset.s32 $0xFFFFF086  }
0x25: {  	[simem:s6], [sflag:s4] =	dma.local [hbm:s3], $0xF7A  }
0x26: {  	[smem:$0x3F9F] =	sst s1;
	(tag) =	ssettag s2;
	_ =	strace s9  }
0x27: {  	s1 =	sld [smem:$0x3FAF]  }
0x28: {  	s2 =	sld [smem:$0x3FB0]  }
0x29: {  	s4 =	sld [smem:$0x3FB2]  }
0x2a: {  	p0 =	seq.s32 s5, $0x0;
	s5 =	sld [smem:$0x3FB3]  }
0x2b: {  	s6 =	sld [smem:$0x3FB4]  }
0x2c: {  	s7 =	sld [smem:$0x3FB5]  }
0x2d: {  	s3 =	simm.s32 $0x108;
	s8 =	sld [smem:$0x3FB6]  }
0x2e: {  	s3 =	simm.s32 @!p0 $0x1082;
	s9 =	sld [smem:$0x3FB7]  }
0x2f: {  	lr =	sadd.s32 s0, s3;
	s0 =	sld [smem:$0x3FAE]  }
0x30: {  	s3 =	sld [smem:$0x3FB1]  }
0x31: {  	[smem:$0x3FBA] =	sst s10  }
0x32: {  	s10 =	sld [smem:$0x3FB8];
	_ =	sdelay $0x3  }
0x33: {  	p0 =	seq.s32 s10, $0x1;
	s10 =	sld [smem:$0x3FBA];
	_ =	sdelay $0x3  }
0x34: {  	[smem:$0x3FBA] =	sst s10  }
0x35: {  	s10 =	sld [smem:$0x3FB9];
	_ =	sdelay $0x3  }
0x36: {  	p1 =	seq.s32 s10, $0x1;
	s10 =	sld [smem:$0x3FBA];
	_ =	sdelay $0x3  }
0x37: {  	[smem:$0x3FBA] =	sst s10  }
0x38: {  	s10 =	sld [smem:$0x3FBB]  }
0x39: {  	_ = 	snop;
	(pc) =	sbr.ind lr, $3  }
0x3a: {  	_ = 	snop  }
0x3b: {  	_ = 	snop  }
0x3c: {  	p2 =	seq.s32 s10, $0x1;
	s10 =	sld [smem:$0x3FBA]  }
0x3d: {  	_ =	shalt  }
0x3e: {  	_ =	shalt  }
0x3f: {  	_ =	shalt  }
0x40: {  	_ =	shalt  }
0x41: {  	_ =	shalt  }
0x42: {  	_ =	shalt  }
0x43: {  	_ =	shalt  }
0x44: {  	_ =	shalt  }
0x45: {  	_ =	shalt  }
0x46: {  	_ =	shalt  }
0x47: {  	_ =	shalt  }
0x48: {  	_ =	shalt  }
0x49: {  	_ =	shalt  }
0x4a: {  	_ =	shalt  }
0x4b: {  	_ =	shalt  }
0x4c: {  	_ =	shalt  }
0x4d: {  	_ =	shalt  }
0x4e: {  	_ =	shalt  }
0x4f: {  	_ =	shalt  }
0x50: {  	_ =	shalt  }
0x51: {  	_ =	shalt  }
0x52: {  	_ =	shalt  }
0x53: {  	_ =	shalt  }
0x54: {  	_ =	shalt  }
0x55: {  	_ =	shalt  }
0x56: {  	_ =	shalt  }
0x57: {  	_ =	shalt  }
0x58: {  	_ =	shalt  }
0x59: {  	_ =	shalt  }
0x5a: {  	_ =	shalt  }
0x5b: {  	_ =	shalt  }
0x5c: {  	_ =	shalt  }
0x5d: {  	_ =	shalt  }
0x5e: {  	_ =	shalt  }
0x5f: {  	_ =	shalt  }
0x60: {  	_ =	shalt  }
0x61: {  	_ =	shalt  }
0x62: {  	_ =	shalt  }
0x63: {  	_ =	shalt  }
0x64: {  	_ =	shalt  }
0x65: {  	_ =	shalt  }
0x66: {  	_ =	shalt  }
0x67: {  	_ =	shalt  }
0x68: {  	_ =	shalt  }
0x69: {  	_ =	shalt  }
0x6a: {  	_ =	shalt  }
0x6b: {  	_ =	shalt  }
0x6c: {  	_ =	shalt  }
0x6d: {  	_ =	shalt  }
0x6e: {  	_ =	shalt  }
0x6f: {  	_ =	shalt  }
0x70: {  	_ =	shalt  }
0x71: {  	_ =	shalt  }
0x72: {  	_ =	shalt  }
0x73: {  	_ =	shalt  }
0x74: {  	_ =	shalt  }
0x75: {  	_ =	shalt  }
0x76: {  	_ =	shalt  }
0x77: {  	_ =	shalt  }
0x78: {  	_ =	shalt  }
0x79: {  	_ =	shalt  }
0x7a: {  	_ =	shalt  }
0x7b: {  	_ =	shalt  }
0x7c: {  	_ =	shalt  }
0x7d: {  	_ =	shalt  }
0x7e: {  	_ =	shalt  }
0x7f: {  	_ =	shalt  }
0x80: {  	_ =	shalt  }
0x81: {  	_ =	shalt  }
0x82: {  	_ =	shalt  }
0x83: {  	_ =	shalt  }
0x84: {  	_ =	shalt  }
0x85: {  	_ =	shalt  }
0x86: {  	_ =	shalt  }
0x87: {  	_ =	shalt  }
.Lfunc_end0:
.L_simem_size_0:
called_computation.1_lowered:
.L_overlay_start_0:
0x88: {  	s2 =	sld [smem:$0x3FD9]  }
0x89: {  	s3 =	sld [smem:$0x3FFE];
	_ =	sdelay $0x1  }
0x8a: {  	s1 =	srdreg.scid  }
0x8b: {  	s0 =	sand.u32 $0x1, s1  }
0x8c: {  	s16 =	sshll.u32 s0, $0xA;
	s2 =	sadd.s32 s3, s2  }
0x8d: {  	s2 =	sadd.s32 s2, s16  }
0x8e: {  	[smem:$0x3FC6] =	sst s2  }
0x8f: {  	_ = 	snop  }
0x90: {  	(tm) =	ssettm $0x1  }
0x91: {  	s17 =	sld [smem:$0x3FFB];
	_ =	sdelay $0x3  }
0x92: {  	_ =	strace s17  }
0x93: {  	s2 =	sld [smem:$0x3FFC];
	_ =	sdelay $0x3  }
0x94: {  	_ =	strace s2  }
0x95: {  	s2 =	sld [smem:$0x3FFD];
	_ =	sdelay $0x3  }
0x96: {  	_ =	strace s2  }
0x97: {  	_ =	strace $0x8FFFFFFF  }
0x98: {  	s18 =	sld [smem:$0x3FDB];
	_ =	sdelay $0x1  }
0x99: {  	s19 =	simm.s32 $_scs_section_size  }
0x9a: {  	s4 =	simm.s32 $_size__tile_overlayer_lowered;
	s5 =	simm.s32 $_tile_overlayer_lowered  }
0x9b: {  	s22 =	simm.s32 $0x1BFF;
	s21 =	sshll.u32 s5, $0x1;
	s2 =	sadd.s32 s19, s18  }
0x9c: {  	s6 =	simm.s32 $0x0;
	s20 =	sshll.u32 s4, $0x1;
	s4 =	sadd.s32 s21, s2  }
0x9d: {  	[timem:s6], [sflag:s22] =	dma.local [hbm:s4], s20  }
0x9e: {  	_ =	swait.ge [sflag:s22], s20  }
0x9f: {  	s3 =	ssub.s32 $0x0, s20;
	[sflag:s22] =	ssyncset.done $0x0  }
0xa0: {  	[sflag:s22] =	ssyncadd.s32 s3;
	_ =	sdelay $0x1  }
0xa1: {  	s23 =	simm.s32 $0x1B8B  }
0xa2: {  	_ =	swait.ge [sflag:s23], $0x1  }
0xa3: {  	[sflag:s23] =	ssyncset.done $0x0  }
0xa4: {  	s25 =	simm.s32 $0x1B8E;
	s24 =	sld [smem:$0x3FFE];
	[sflag:s23] =	ssyncadd.s32 $0xFFFFFFFF  }
0xa5: {  	s26 =	simm.s32 $execute0_lowered;
	[smem:$0x3FD2] =	sst s25  }
0xa6: {  	s4 =	sshll.u32 s26, $0x1;
	_ =	strace $0x80000046;
	[dreg:$0x1] =	wrdreg $0xFFFFFFFF  }
0xa7: {  	s28 =	simm.s32 $_size_execute0_lowered;
	s2 =	sadd.s32 s2, s4;
	[dreg:$0x0] =	wrdreg $0x0  }
0xa8: {  	s4 =	sshll.u32 s28, $0x1;
	[dreg:$0x2] =	wrdreg s2  }
0xa9: {  	[dreg:$0x3] =	wrdreg s4  }
0xaa: {  	[dreg:$0x4] =	wrdreg $0xC0  }
0xab: {  	_ =	task [dreg:s6], $0x5FFFF  }
0xac: {  	[dreg:$0x1] =	wrdreg $0xFFFFFFFF  }
0xad: {  	[dreg:$0x0] =	wrdreg $0x60  }
0xae: {  	[dreg:$0x2] =	wrdreg s24  }
0xaf: {  	[dreg:$0x3] =	wrdreg $0x9  }
0xb0: {  	_ =	task.clear_ibuf [dreg:s6], $0x4FFFF;
	_ =	strace $0x90000046  }
0xb1: {  	s29 =	simm.s32 $0x9;
	_ =	strace $0x80000048  }
0xb2: {  	_ =	swait.ge [sflag:s29], $0x1  }
0xb3: {  	[sflag:s29] =	ssyncadd.s32 $0xFFFFFFFF  }
0xb4: {  	_ =	strace $0x90000048  }
0xb5: {  	_ =	sfence  }
0xb6: {  	s30 =	sld [smem:$0x0];
	_ =	sdelay $0x2  }
0xb7: {  	s31 =	sshll.u32 s1, $0xD;
	s1 =	sshrl.u32 s1, $0x2  }
0xb8: {  	s3 =	sand.u32 $0x4000, s31;
	s1 =	sadd.s32 s1, s30  }
0xb9: {  	s0 =	sor.u32 s3, s0;
	s1 =	sshll.u32 s1, $0x11  }
0xba: {  	s0 =	sor.u32 s1, s0  }
0xbb: {  	s0 =	sadd.s32 $0x8F2B, s0  }
0xbc: {  	[sflag:s0] =	ssyncadd.remote.s32 $0x1  }
0xbd: {  	_ =	sfence.sel $0xFFFF  }
0xbe: {  	[dreg:$0x0] =	wrdreg $0xFFFFFFFF;
	(pc) =	sbr.abs _section_cstart, $3  }
0xbf: {  	[dreg:$0x1] =	wrdreg $0xFFFFFFFF  }
0xc0: {  	_ =	task.clear_ibuf [dreg:s6], $0x2FFFF;
	_ =	strace $0x9FFFFFFF  }
0xc1: {  	(tm) =	ssettm $0x7FFFFFFF  }
tec
execute0_lowered:
.L_overlay_start_1:
0x0: {  	(tag) =	ssettag $0x1  }
0x1: {  	s0 =	srdreg.scid  }
0x2: {  	s9 =	stileid.u32;
	s2 =	rddreg [dreg:$0x0];
	s5 =	simm.s32 $0x0  }
0x3: {  	s22 =	simm.s32 $0x32;
	s10 =	simm.s32 $0x40;
	s23 =	simm.s32 $0x1C00  }
0x4: {  	s24 =	simm.s32 $0x2880;
	s25 =	simm.s32 $0x3500;
	[smem:$0x7FF] =	sst s5  }
0x5: {  	s26 =	simm.s32 $0x4180;
	_ =	strace $0x80000047;
	[dreg:$0x9] =	wrdreg s22  }
0x6: {  	s29 =	simm.s32 $0x4E00;
	s30 =	simm.s32 $0x5A80;
	[dreg:$0xa] =	wrdreg s23  }
0x7: {  	s31 =	simm.s32 $0x6700;
	s28 =	simm.s32 $0x0;
	[dreg:$0xb] =	wrdreg s24  }
0x8: {  	s0 =	sand.u32 $0x1, s0;
	s3 =	smul.u32 $0x1C0000, s9;
	[dreg:$0xc] =	wrdreg s25  }
0x9: {  	s1 =	sshll.u32 s9, $0x1;
	s19 =	smul.u32 $0x38000, s9;
	[dreg:$0xd] =	wrdreg s26  }
0xa: {  	s9 =	simm.s32 $0x1;
	s1 =	sor.u32 s0, s1;
	[dreg:$0xe] =	wrdreg s29  }
0xb: {  	s4 =	smul.u32 $0xE0000, s0;
	s6 =	ssub.s32 $0x2, s0;
	[dreg:$0xf] =	wrdreg s30  }
0xc: {  	s0 =	smul.u32 $0x1C000, s0;
	[dreg:$0x10] =	wrdreg s31;
	s24 =	simm.s32 $0xE  }
0xd: {  	s25 =	simm.s32 $0xF;
	s26 =	simm.s32 $0x10;
	s1 =	smul.u32 $0x380, s1  }
0xe: {  	s8 =	sshrl.u32 s6, $0x1;
	s11 =	sadd.s32 s4, s3;
	s3 =	sadd.s32 $0x7800, s2  }
0xf: {  	s4 =	sadd.s32 $0xCAE00, s2;
	s6 =	ssub.s32 s6, s8;
	s0 =	sadd.s32 s0, s19  }
0x10: {  	s8 =	simm.s32 $0x7380;
	s1 =	sadd.s32 s1, s2;
	s12 =	sor.u32 $0xC400, s11  }
0x11: {  	s7 =	sor.u32 $0xA800, s11;
	s14 =	sor.u32 $0x8C00, s11;
	s16 =	sor.u32 $0x7000, s11  }
0x12: {  	s18 =	sor.u32 $0x5400, s11;
	s21 =	smax.u32 s6, $0x1;
	[dreg:$0x8] =	wrdreg s0  }
0x13: {  	s5 =	sor.u32 $0x3800, s11;
	s2 =	sshrl.u32 s12, $0x3;
	[dreg:$0x12] =	wrdreg s21  }
0x14: {  	s11 =	simm.s32 $0x80;
	s13 =	sshrl.u32 s7, $0x3;
	[dreg:$0x2] =	wrdreg s2  }
0x15: {  	s15 =	sshrl.u32 s14, $0x3;
	s17 =	sshrl.u32 s16, $0x3;
	[dreg:$0x3] =	wrdreg s13  }
0x16: {  	s20 =	sshrl.u32 s5, $0x3;
	s1 =	sadd.s32 $0x800, s1;
	[dreg:$0x4] =	wrdreg s15  }
0x17: {  	s12 =	simm.s32 $0x2;
	s14 =	simm.s32 $0x4;
	[dreg:$0x5] =	wrdreg s17  }
0x18: {  	s16 =	simm.s32 $0x6;
	s2 =	sshrl.u32 s18, $0x3;
	[dreg:$0x11] =	wrdreg s1  }
0x19: {  	[dreg:$0x7] =	wrdreg s20;
	s13 =	simm.s32 $0x3;
	s15 =	simm.s32 $0x5  }
0x1a: {  	s17 =	simm.s32 $0x7;
	s18 =	simm.s32 $0x8;
	[dreg:$0x6] =	wrdreg s2  }
.LBB2_1:
0x1b: {  	s0 =	simm.s32 $0x0;
	s1 =	rddreg [dreg:$0x11];
	s7 =	simm.s32 $0x11  }
0x1c: {  	[tilespmem:s0], [sflag:$0x11] =	stream.linear.gather [hbm4b:s1+s0], $0x1C00, $0x38;
	[tilespmem:$0x8000] =	vst v63  }
0x1d: {  	p1 =	por $0x0, $0x0;
	_ =	swait.ge [sflag:s7], $0x1C00  }
0x1e: {  	p0 =	por p1, p1;
	[sflag:s7] =	ssyncset.done $0x0  }
0x1f: {  	s0 =	simm.s32 @p0 $0x9;
	[sflag:s7] =	ssyncadd.s32 $0xFFFFE400  }
0x20: {  	_ =	swait.ge @p0 [sflag:s0], $0xC80  }
0x21: {  	s1 =	simm.s32 @p0 $0x1C00;
	s2 =	simm.s32 @p0 $0xA;
	[sflag:s0] =	ssyncset.done @p0 $0x0  }
0x22: {  	s29 =	simm.s32 @p0 $0x32;
	[sflag:s0] =	ssyncadd.s32 @p0 $0xFFFFF380;
	s0 =	simm.s32 @p0 $0x0  }
0x23: {  	[tilespmem:s1], [sflag:$0x1] =	stream.indirect.gather @p0 [hbm4b:s3+s29], $0x40, s0, s29, $0xb8;
	[tilespmem:$0x8000] =	vst v63  }
0x24: {  	_ =	swait.ge @p0 [sflag:s2], $0xC80  }
0x25: {  	s0 =	simm.s32 @p0 $0x38;
	[sflag:s2] =	ssyncset.done @p0 $0x0  }
0x26: {  	s1 =	simm.s32 @p0 $0x2880;
	[sflag:s2] =	ssyncadd.s32 @p0 $0xFFFFF380;
	s2 =	simm.s32 @p0 $0xB  }
0x27: {  	[tilespmem:s1], [sflag:$0x2] =	stream.indirect.gather @p0 [hbm4b:s3+s29], $0x40, s0, s29, $0xb8;
	[tilespmem:$0x8000] =	vst v63  }
0x28: {  	_ =	swait.ge @p0 [sflag:s2], $0xC80  }
0x29: {  	s0 =	simm.s32 @p0 $0x70;
	[sflag:s2] =	ssyncset.done @p0 $0x0  }
0x2a: {  	s1 =	simm.s32 @p0 $0x3500;
	[sflag:s2] =	ssyncadd.s32 @p0 $0xFFFFF380;
	s2 =	simm.s32 @p0 $0xC  }
0x2b: {  	[tilespmem:s1], [sflag:$0x3] =	stream.indirect.gather @p0 [hbm4b:s3+s29], $0x40, s0, s29, $0xb8;
	[tilespmem:$0x8000] =	vst v63  }
0x2c: {  	_ =	swait.ge @p0 [sflag:s2], $0xC80  }
0x2d: {  	s0 =	simm.s32 @p0 $0xA8;
	[sflag:s2] =	ssyncset.done @p0 $0x0  }
0x2e: {  	s1 =	simm.s32 @p0 $0x4180;
	[sflag:s2] =	ssyncadd.s32 @p0 $0xFFFFF380;
	s2 =	simm.s32 @p0 $0xD  }
0x2f: {  	[tilespmem:s1], [sflag:$0x4] =	stream.indirect.gather @p0 [hbm4b:s3+s29], $0x40, s0, s29, $0xb8;
	[tilespmem:$0x8000] =	vst v63  }
0x30: {  	_ =	swait.ge @p0 [sflag:s2], $0xC80  }
0x31: {  	s0 =	simm.s32 @p0 $0xE0;
	[sflag:s2] =	ssyncset.done @p0 $0x0  }
0x32: {  	s1 =	simm.s32 @p0 $0x4E00;
	[sflag:s2] =	ssyncadd.s32 @p0 $0xFFFFF380;
	s2 =	simm.s32 @p0 $0xE  }
0x33: {  	[tilespmem:s1], [sflag:$0x5] =	stream.indirect.gather @p0 [hbm4b:s3+s29], $0x40, s0, s29, $0xb8;
	[tilespmem:$0x8000] =	vst v63  }
0x34: {  	_ =	swait.ge @p0 [sflag:s2], $0xC80  }
0x35: {  	s0 =	simm.s32 @p0 $0x118;
	[sflag:s2] =	ssyncset.done @p0 $0x0  }
0x36: {  	s1 =	simm.s32 @p0 $0x5A80;
	[sflag:s2] =	ssyncadd.s32 @p0 $0xFFFFF380;
	s2 =	simm.s32 @p0 $0xF  }
0x37: {  	[tilespmem:s1], [sflag:$0x6] =	stream.indirect.gather @p0 [hbm4b:s3+s29], $0x40, s0, s29, $0xb8;
	[tilespmem:$0x8000] =	vst v63  }
0x38: {  	_ =	swait.ge @p0 [sflag:s2], $0xC80  }
0x39: {  	s0 =	simm.s32 @p0 $0x150;
	[sflag:s2] =	ssyncset.done @p0 $0x0  }
0x3a: {  	s1 =	simm.s32 @p0 $0x6700;
	[sflag:s2] =	ssyncadd.s32 @p0 $0xFFFFF380;
	s2 =	simm.s32 @p0 $0x10  }
0x3b: {  	[tilespmem:s1], [sflag:$0x7] =	stream.indirect.gather @p0 [hbm4b:s3+s29], $0x40, s0, s29, $0xb8;
	[tilespmem:$0x8000] =	vst v63  }
0x3c: {  	_ =	swait.ge @p0 [sflag:s2], $0xC80  }
0x3d: {  	s0 =	simm.s32 @!p0 $0x1C00;
	[sflag:s2] =	ssyncset.done @p0 $0x0  }
0x3e: {  	s1 =	simm.s32 @!p0 $0x32;
	[sflag:s2] =	ssyncadd.s32 @p0 $0xFFFFF380;
	s2 =	simm.s32 @!p0 $0x0  }
0x3f: {  	[tilespmem:s0], [sflag:$0x1] =	stream.indirect.gather @!p0 [hbm4b:s3+s1], $0x40, s2, s1, $0xb8;
	[tilespmem:$0x8000] =	vst v63  }
0x40: {  	s0 =	simm.s32 @!p0 $0x38;
	s2 =	simm.s32 @!p0 $0x2880  }
0x41: {  	[tilespmem:s2], [sflag:$0x2] =	stream.indirect.gather @!p0 [hbm4b:s3+s1], $0x40, s0, s1, $0xb8;
	[tilespmem:$0x8000] =	vst v63  }
0x42: {  	s0 =	simm.s32 @!p0 $0x70;
	s2 =	simm.s32 @!p0 $0x3500  }
0x43: {  	[tilespmem:s2], [sflag:$0x3] =	stream.indirect.gather @!p0 [hbm4b:s3+s1], $0x40, s0, s1, $0xb8;
	[tilespmem:$0x8000] =	vst v63  }
0x44: {  	s29 =	simm.s32 @!p0 $0x4180;
	s2 =	simm.s32 @!p0 $0xA8  }
0x45: {  	[tilespmem:s29], [sflag:$0x4] =	stream.indirect.gather @!p0 [hbm4b:s3+s1], $0x40, s2, s1, $0xb8;
	[tilespmem:$0x8000] =	vst v63  }
0x46: {  	s0 =	simm.s32 $0x0;
	s2 =	simm.s32 @!p0 $0xE0;
	s29 =	simm.s32 @!p0 $0x4E00  }
0x47: {  	[tilespmem:s29], [sflag:$0x5] =	stream.indirect.gather @!p0 [hbm4b:s3+s1], $0x40, s2, s1, $0xb8;
	[tilespmem:$0x8000] =	vst v63  }
0x48: {  	s0 =	simm.s32 @!p1 $0x0;
	s2 =	simm.s32 @!p0 $0x118;
	s29 =	simm.s32 @!p0 $0x5A80  }
0x49: {  	[tilespmem:s29], [sflag:$0x6] =	stream.indirect.gather @!p0 [hbm4b:s3+s1], $0x40, s2, s1, $0xb8;
	[tilespmem:$0x8000] =	vst v63  }
0x4a: {  	s0 =	sshra.s32 s0, $0x2;
	s2 =	simm.s32 @!p0 $0x150;
	s29 =	simm.s32 @!p0 $0x6700  }
0x4b: {  	[tilespmem:s29], [sflag:$0x7] =	stream.indirect.gather @!p0 [hbm4b:s3+s1], $0x40, s2, s1, $0xb8;
	[tilespmem:$0x8000] =	vst v63  }
0x4c: {  	s30 =	rddreg [dreg:$0x9];
	s0 =	sadd.s32 $0x188, s0  }
0x4d: {  	[tilespmem:s8], [sflag:$0x8] =	stream.indirect.gather [hbm4b:s3+s30], $0x40, s0, s30, $0xb8;
	[tilespmem:$0x8000] =	vst v63  }
0x4e: {  	_ =	swait.ge [sflag:s9], $0xC80  }
0x4f: {  	s19 =	rddreg [dreg:$0x8];
	[sflag:s9] =	ssyncset.done $0x0  }
0x50: {  	s20 =	rddreg [dreg:$0xa];
	[sflag:s9] =	ssyncadd.s32 $0xFFFFF380;
	s0 =	sadd.s32 s4, s19  }
0x51: {  	[hbm4b:s0+s10] =	stream.strided.scatter [tilespmem:s20], [sflag:$0x9], $0xC80, s11, s10, $0x38;
	[tilespmem:$0x8000] =	vst v63  }
0x52: {  	_ =	swait.ge [sflag:s12], $0xC80  }
0x53: {  	[sflag:s12] =	ssyncset.done $0x0  }
0x54: {  	s0 =	sadd.s32 $0x380, s0;
	s21 =	rddreg [dreg:$0xb];
	[sflag:s12] =	ssyncadd.s32 $0xFFFFF380  }
0x55: {  	[hbm4b:s0+s10] =	stream.strided.scatter [tilespmem:s21], [sflag:$0xA], $0xC80, s11, s10, $0x38;
	[tilespmem:$0x8000] =	vst v63  }
0x56: {  	_ =	swait.ge [sflag:s13], $0xC80  }
0x57: {  	s22 =	rddreg [dreg:$0x7];
	[sflag:s13] =	ssyncset.done $0x0  }
0x58: {  	s23 =	rddreg [dreg:$0xc];
	[sflag:s13] =	ssyncadd.s32 $0xFFFFF380;
	s0 =	sadd.s32 s4, s22  }
0x59: {  	[hbm4b:s0+s10] =	stream.strided.scatter [tilespmem:s23], [sflag:$0xB], $0xC80, s11, s10, $0x38;
	[tilespmem:$0x8000] =	vst v63  }
0x5a: {  	_ =	swait.ge [sflag:s14], $0xC80  }
0x5b: {  	s2 =	rddreg [dreg:$0x6];
	[sflag:s14] =	ssyncset.done $0x0  }
0x5c: {  	s5 =	rddreg [dreg:$0xd];
	[sflag:s14] =	ssyncadd.s32 $0xFFFFF380;
	s0 =	sadd.s32 s4, s2  }
0x5d: {  	[hbm4b:s0+s10] =	stream.strided.scatter [tilespmem:s5], [sflag:$0xC], $0xC80, s11, s10, $0x38;
	[tilespmem:$0x8000] =	vst v63  }
0x5e: {  	_ =	swait.ge [sflag:s15], $0xC80  }
0x5f: {  	s6 =	rddreg [dreg:$0x5];
	[sflag:s15] =	ssyncset.done $0x0  }
0x60: {  	s7 =	rddreg [dreg:$0xe];
	[sflag:s15] =	ssyncadd.s32 $0xFFFFF380;
	s0 =	sadd.s32 s4, s6  }
0x61: {  	[hbm4b:s0+s10] =	stream.strided.scatter [tilespmem:s7], [sflag:$0xD], $0xC80, s11, s10, $0x38;
	[tilespmem:$0x8000] =	vst v63  }
0x62: {  	_ =	swait.ge [sflag:s16], $0xC80  }
0x63: {  	s19 =	rddreg [dreg:$0x4];
	[sflag:s16] =	ssyncset.done $0x0  }
0x64: {  	s20 =	rddreg [dreg:$0xf];
	[sflag:s16] =	ssyncadd.s32 $0xFFFFF380;
	s0 =	sadd.s32 s4, s19  }
0x65: {  	[hbm4b:s0+s10] =	stream.strided.scatter [tilespmem:s20], [sflag:$0xE], $0xC80, s11, s10, $0x38;
	[tilespmem:$0x8000] =	vst v63  }
0x66: {  	_ =	swait.ge [sflag:s17], $0xC80  }
0x67: {  	s31 =	simm.s32 $0xE00;
	s21 =	rddreg [dreg:$0x3];
	[sflag:s17] =	ssyncset.done $0x0  }
0x68: {  	s22 =	rddreg [dreg:$0x10];
	[sflag:s17] =	ssyncadd.s32 $0xFFFFF380;
	s0 =	sadd.s32 s4, s21  }
0x69: {  	[hbm4b:s0+s10] =	stream.strided.scatter [tilespmem:s22], [sflag:$0xF], $0xC80, s11, s10, $0x38;
	[tilespmem:$0x8000] =	vst v63  }
0x6a: {  	p0 =	por $0x1, $0x1;
	s1 =	simm.s32 $0x700;
	s0 =	simm.s32 $0x700  }
0x6b: {  	s29 =	sadd.s32 $0x1C00, s4;
	_ =	swait.ge [sflag:s18], $0xC80;
	s0 =	simm.s32 @!p0 $0x0  }
0x6c: {  	p0 =	por p0, p0;
	s23 =	rddreg [dreg:$0x2];
	[sflag:s18] =	ssyncset.done $0x0  }
0x6d: {  	s30 =	sshra.s32 s0, $0x2;
	[sflag:s18] =	ssyncadd.s32 $0xFFFFF380;
	s0 =	sadd.s32 s4, s23  }
.LBB2_2:
0x6e: {  	[hbm4b:s0+s10] =	stream.strided.scatter [tilespmem:s8], [sflag:$0x10], $0xC80, s11, s10, $0x38;
	[tilespmem:$0x8000] =	vst v63  }
0x6f: {  	s6 =	smov.u32 s31;
	s0 =	simm.s32 @p0 $0x9;
	s7 =	simm.s32 @p0 $0x1C00  }
0x70: {  	s19 =	simm.s32 @p0 $0xA;
	s2 =	simm.s32 @p0 $0x32;
	_ =	swait.ge @p0 [sflag:s0], $0xC80  }
0x71: {  	s22 =	simm.s32 @p0 $0xB;
	p2 =	sne.s32 s6, $0x0;
	[sflag:s0] =	ssyncset.done @p0 $0x0  }
0x72: {  	s5 =	smov.u32 s6;
	[sflag:s0] =	ssyncadd.s32 @p0 $0xFFFFF380;
	s0 =	sshra.s32 @p0 s1, $0x2  }
0x73: {  	[tilespmem:s7], [sflag:$0x1] =	stream.indirect.gather @p0 [hbm4b:s3+s2], $0x40, s0, s2, $0xb8;
	[tilespmem:$0x8000] =	vst v63  }
0x74: {  	s5 =	simm.s32 @!p2 $0x0;
	s1 =	sadd.s32 @p0 $0x38, s0;
	_ =	swait.ge @p0 [sflag:s19], $0xC80  }
0x75: {  	s7 =	sadd.s32 @p0 $0xA8, s0;
	s20 =	sadd.s32 @p0 $0x70, s0;
	[sflag:s19] =	ssyncset.done @p0 $0x0  }
0x76: {  	s21 =	sadd.s32 @p0 $0xE0, s0;
	[sflag:s19] =	ssyncadd.s32 @p0 $0xFFFFF380;
	s19 =	simm.s32 @p0 $0x2880  }
0x77: {  	[tilespmem:s19], [sflag:$0x2] =	stream.indirect.gather @p0 [hbm4b:s3+s2], $0x40, s1, s2, $0xb8;
	[tilespmem:$0x8000] =	vst v63  }
0x78: {  	s23 =	sadd.s32 @p0 $0x150, s0;
	s19 =	sadd.s32 @p0 $0x118, s0;
	_ =	swait.ge @p0 [sflag:s22], $0xC80  }
0x79: {  	s0 =	sshra.s32 s5, $0x2;
	s1 =	smov.u32 s6;
	[sflag:s22] =	ssyncset.done @p0 $0x0  }
0x7a: {  	s5 =	simm.s32 @p0 $0x3500;
	s6 =	simm.s32 @p0 $0xC;
	[sflag:s22] =	ssyncadd.s32 @p0 $0xFFFFF380  }
0x7b: {  	[tilespmem:s5], [sflag:$0x3] =	stream.indirect.gather @p0 [hbm4b:s3+s2], $0x40, s20, s2, $0xb8;
	[tilespmem:$0x8000] =	vst v63  }
0x7c: {  	_ =	swait.ge @p0 [sflag:s6], $0xC80  }
0x7d: {  	[sflag:s6] =	ssyncset.done @p0 $0x0  }
0x7e: {  	s5 =	simm.s32 @p0 $0x4180;
	[sflag:s6] =	ssyncadd.s32 @p0 $0xFFFFF380;
	s6 =	simm.s32 @p0 $0xD  }
0x7f: {  	[tilespmem:s5], [sflag:$0x4] =	stream.indirect.gather @p0 [hbm4b:s3+s2], $0x40, s7, s2, $0xb8;
	[tilespmem:$0x8000] =	vst v63  }
0x80: {  	_ =	swait.ge @p0 [sflag:s6], $0xC80  }
0x81: {  	[sflag:s6] =	ssyncset.done @p0 $0x0  }
0x82: {  	s5 =	simm.s32 @p0 $0x4E00;
	[sflag:s6] =	ssyncadd.s32 @p0 $0xFFFFF380;
	s6 =	simm.s32 @p0 $0xE  }
0x83: {  	[tilespmem:s5], [sflag:$0x5] =	stream.indirect.gather @p0 [hbm4b:s3+s2], $0x40, s21, s2, $0xb8;
	[tilespmem:$0x8000] =	vst v63  }
0x84: {  	_ =	swait.ge @p0 [sflag:s6], $0xC80  }
0x85: {  	[sflag:s6] =	ssyncset.done @p0 $0x0  }
0x86: {  	s5 =	simm.s32 @p0 $0x5A80;
	[sflag:s6] =	ssyncadd.s32 @p0 $0xFFFFF380;
	s6 =	simm.s32 @p0 $0xF  }
0x87: {  	[tilespmem:s5], [sflag:$0x6] =	stream.indirect.gather @p0 [hbm4b:s3+s2], $0x40, s19, s2, $0xb8;
	[tilespmem:$0x8000] =	vst v63  }
0x88: {  	_ =	swait.ge @p0 [sflag:s6], $0xC80  }
0x89: {  	[sflag:s6] =	ssyncset.done @p0 $0x0  }
0x8a: {  	s5 =	simm.s32 @p0 $0x6700;
	[sflag:s6] =	ssyncadd.s32 @p0 $0xFFFFF380;
	s6 =	simm.s32 @p0 $0x10  }
0x8b: {  	[tilespmem:s5], [sflag:$0x7] =	stream.indirect.gather @p0 [hbm4b:s3+s2], $0x40, s23, s2, $0xb8;
	[tilespmem:$0x8000] =	vst v63  }
0x8c: {  	_ =	swait.ge @p0 [sflag:s6], $0xC80  }
0x8d: {  	s2 =	simm.s32 @!p0 $0x1C00;
	[sflag:s6] =	ssyncset.done @p0 $0x0  }
0x8e: {  	s5 =	simm.s32 @!p0 $0x32;
	[sflag:s6] =	ssyncadd.s32 @p0 $0xFFFFF380;
	s6 =	simm.s32 @!p0 $0x0  }
0x8f: {  	[tilespmem:s2], [sflag:$0x1] =	stream.indirect.gather @!p0 [hbm4b:s3+s5], $0x40, s6, s5, $0xb8;
	[tilespmem:$0x8000] =	vst v63  }
0x90: {  	s2 =	simm.s32 @!p0 $0x38;
	s6 =	simm.s32 @!p0 $0x2880  }
0x91: {  	[tilespmem:s6], [sflag:$0x2] =	stream.indirect.gather @!p0 [hbm4b:s3+s5], $0x40, s2, s5, $0xb8;
	[tilespmem:$0x8000] =	vst v63  }
0x92: {  	s2 =	simm.s32 @!p0 $0x70;
	s6 =	simm.s32 @!p0 $0x3500  }
0x93: {  	[tilespmem:s6], [sflag:$0x3] =	stream.indirect.gather @!p0 [hbm4b:s3+s5], $0x40, s2, s5, $0xb8;
	[tilespmem:$0x8000] =	vst v63  }
0x94: {  	s2 =	simm.s32 @!p0 $0xA8;
	s6 =	simm.s32 @!p0 $0x4180  }
0x95: {  	[tilespmem:s6], [sflag:$0x4] =	stream.indirect.gather @!p0 [hbm4b:s3+s5], $0x40, s2, s5, $0xb8;
	[tilespmem:$0x8000] =	vst v63  }
0x96: {  	s2 =	simm.s32 @!p0 $0xE0;
	s6 =	simm.s32 @!p0 $0x4E00  }
0x97: {  	[tilespmem:s6], [sflag:$0x5] =	stream.indirect.gather @!p0 [hbm4b:s3+s5], $0x40, s2, s5, $0xb8;
	[tilespmem:$0x8000] =	vst v63  }
0x98: {  	s2 =	simm.s32 @!p0 $0x118;
	s6 =	simm.s32 @!p0 $0x5A80  }
0x99: {  	[tilespmem:s6], [sflag:$0x6] =	stream.indirect.gather @!p0 [hbm4b:s3+s5], $0x40, s2, s5, $0xb8;
	[tilespmem:$0x8000] =	vst v63  }
0x9a: {  	s2 =	simm.s32 @!p0 $0x150;
	s6 =	simm.s32 @!p0 $0x6700  }
0x9b: {  	[tilespmem:s6], [sflag:$0x7] =	stream.indirect.gather @!p0 [hbm4b:s3+s5], $0x40, s2, s5, $0xb8;
	[tilespmem:$0x8000] =	vst v63  }
0x9c: {  	s23 =	rddreg [dreg:$0x9];
	s6 =	sadd.s32 $0x188, s30  }
0x9d: {  	[tilespmem:s8], [sflag:$0x8] =	stream.indirect.gather [hbm4b:s3+s23], $0x40, s6, s23, $0xb8;
	[tilespmem:$0x8000] =	vst v63  }
0x9e: {  	_ =	swait.ge [sflag:s9], $0xC80  }
0x9f: {  	s30 =	smov.u32 s0;
	s19 =	rddreg [dreg:$0x8];
	[sflag:s9] =	ssyncset.done $0x0  }
0xa0: {  	s20 =	rddreg [dreg:$0xa];
	[sflag:s9] =	ssyncadd.s32 $0xFFFFF380;
	s0 =	sadd.s32 s29, s19  }
0xa1: {  	[hbm4b:s0+s10] =	stream.strided.scatter [tilespmem:s20], [sflag:$0x9], $0xC80, s11, s10, $0x38;
	[tilespmem:$0x8000] =	vst v63  }
0xa2: {  	_ =	swait.ge [sflag:s12], $0xC80  }
0xa3: {  	[sflag:s12] =	ssyncset.done $0x0  }
0xa4: {  	s0 =	sadd.s32 $0x380, s0;
	s21 =	rddreg [dreg:$0xb];
	[sflag:s12] =	ssyncadd.s32 $0xFFFFF380  }
0xa5: {  	[hbm4b:s0+s10] =	stream.strided.scatter [tilespmem:s21], [sflag:$0xA], $0xC80, s11, s10, $0x38;
	[tilespmem:$0x8000] =	vst v63  }
0xa6: {  	_ =	swait.ge [sflag:s13], $0xC80  }
0xa7: {  	s22 =	rddreg [dreg:$0x7];
	[sflag:s13] =	ssyncset.done $0x0  }
0xa8: {  	s23 =	rddreg [dreg:$0xc];
	[sflag:s13] =	ssyncadd.s32 $0xFFFFF380;
	s0 =	sadd.s32 s29, s22  }
0xa9: {  	[hbm4b:s0+s10] =	stream.strided.scatter [tilespmem:s23], [sflag:$0xB], $0xC80, s11, s10, $0x38;
	[tilespmem:$0x8000] =	vst v63  }
0xaa: {  	_ =	swait.ge [sflag:s14], $0xC80  }
0xab: {  	s2 =	rddreg [dreg:$0x6];
	[sflag:s14] =	ssyncset.done $0x0  }
0xac: {  	s5 =	rddreg [dreg:$0xd];
	[sflag:s14] =	ssyncadd.s32 $0xFFFFF380;
	s0 =	sadd.s32 s29, s2  }
0xad: {  	[hbm4b:s0+s10] =	stream.strided.scatter [tilespmem:s5], [sflag:$0xC], $0xC80, s11, s10, $0x38;
	[tilespmem:$0x8000] =	vst v63  }
0xae: {  	_ =	swait.ge [sflag:s15], $0xC80  }
0xaf: {  	s6 =	rddreg [dreg:$0x5];
	[sflag:s15] =	ssyncset.done $0x0  }
0xb0: {  	s7 =	rddreg [dreg:$0xe];
	[sflag:s15] =	ssyncadd.s32 $0xFFFFF380;
	s0 =	sadd.s32 s29, s6  }
0xb1: {  	[hbm4b:s0+s10] =	stream.strided.scatter [tilespmem:s7], [sflag:$0xD], $0xC80, s11, s10, $0x38;
	[tilespmem:$0x8000] =	vst v63  }
0xb2: {  	_ =	swait.ge [sflag:s16], $0xC80  }
0xb3: {  	s19 =	rddreg [dreg:$0x4];
	[sflag:s16] =	ssyncset.done $0x0  }
0xb4: {  	s20 =	rddreg [dreg:$0xf];
	[sflag:s16] =	ssyncadd.s32 $0xFFFFF380;
	s0 =	sadd.s32 s29, s19  }
0xb5: {  	[hbm4b:s0+s10] =	stream.strided.scatter [tilespmem:s20], [sflag:$0xE], $0xC80, s11, s10, $0x38;
	[tilespmem:$0x8000] =	vst v63  }
0xb6: {  	_ =	swait.ge [sflag:s17], $0xC80  }
0xb7: {  	s31 =	sadd.s32 $0x700, s31;
	s21 =	rddreg [dreg:$0x3]  }
0xb8: {  	p1 =	sne.s32 s31, $0x7000;
	s22 =	rddreg [dreg:$0x10];
	[sflag:s17] =	ssyncset.done $0x0  }
.Ltmp0:
0xb9: {  	[sflag:s17] =	ssyncadd.s32 $0xFFFFF380;
	s0 =	sadd.s32 s29, s21;
	(pc) =	sbr.rel @p1 .LBB2_2-.Ltmp0, $4  }
0xba: {  	[hbm4b:s0+s10] =	stream.strided.scatter [tilespmem:s22], [sflag:$0xF], $0xC80, s11, s10, $0x38;
	[tilespmem:$0x8000] =	vst v63  }
0xbb: {  	_ =	swait.ge [sflag:s18], $0xC80  }
0xbc: {  	p0 =	por p2, p2;
	[sflag:s18] =	ssyncset.done $0x0;
	s23 =	rddreg [dreg:$0x2]  }
0xbd: {  	[sflag:s18] =	ssyncadd.s32 $0xFFFFF380;
	s0 =	sadd.s32 s29, s23;
	s29 =	sadd.s32 $0x1C00, s29  }
0xbe: {  	[hbm4b:s0+s10] =	stream.strided.scatter [tilespmem:s8], [sflag:$0x10], $0xC80, s11, s10, $0x38;
	[tilespmem:$0x8000] =	vst v63  }
0xbf: {  	s0 =	simm.s32 @p0 $0x9  }
0xc0: {  	_ =	swait.ge @p0 [sflag:s0], $0xC80  }
0xc1: {  	s2 =	simm.s32 @p0 $0x1C00;
	s5 =	simm.s32 @p0 $0xA;
	[sflag:s0] =	ssyncset.done @p0 $0x0  }
0xc2: {  	[sflag:s0] =	ssyncadd.s32 @p0 $0xFFFFF380;
	s0 =	sshra.s32 @p0 s1, $0x2;
	s1 =	simm.s32 @p0 $0x32  }
0xc3: {  	[tilespmem:s2], [sflag:$0x1] =	stream.indirect.gather @p0 [hbm4b:s3+s1], $0x40, s0, s1, $0xb8;
	[tilespmem:$0x8000] =	vst v63  }
0xc4: {  	_ =	swait.ge @p0 [sflag:s5], $0xC80  }
0xc5: {  	[sflag:s5] =	ssyncset.done @p0 $0x0  }
0xc6: {  	s2 =	sadd.s32 @p0 $0x38, s0;
	[sflag:s5] =	ssyncadd.s32 @p0 $0xFFFFF380;
	s5 =	simm.s32 @p0 $0x2880  }
0xc7: {  	[tilespmem:s5], [sflag:$0x2] =	stream.indirect.gather @p0 [hbm4b:s3+s1], $0x40, s2, s1, $0xb8;
	[tilespmem:$0x8000] =	vst v63  }
0xc8: {  	s2 =	simm.s32 @p0 $0xB  }
0xc9: {  	_ =	swait.ge @p0 [sflag:s2], $0xC80  }
0xca: {  	[sflag:s2] =	ssyncset.done @p0 $0x0  }
0xcb: {  	s5 =	sadd.s32 @p0 $0x70, s0;
	[sflag:s2] =	ssyncadd.s32 @p0 $0xFFFFF380;
	s2 =	simm.s32 @p0 $0x3500  }
0xcc: {  	[tilespmem:s2], [sflag:$0x3] =	stream.indirect.gather @p0 [hbm4b:s3+s1], $0x40, s5, s1, $0xb8;
	[tilespmem:$0x8000] =	vst v63  }
0xcd: {  	s2 =	simm.s32 @p0 $0xC  }
0xce: {  	_ =	swait.ge @p0 [sflag:s2], $0xC80  }
0xcf: {  	[sflag:s2] =	ssyncset.done @p0 $0x0  }
0xd0: {  	s5 =	sadd.s32 @p0 $0xA8, s0;
	[sflag:s2] =	ssyncadd.s32 @p0 $0xFFFFF380;
	s2 =	simm.s32 @p0 $0x4180  }
0xd1: {  	[tilespmem:s2], [sflag:$0x4] =	stream.indirect.gather @p0 [hbm4b:s3+s1], $0x40, s5, s1, $0xb8;
	[tilespmem:$0x8000] =	vst v63  }
0xd2: {  	s2 =	simm.s32 @p0 $0xD  }
0xd3: {  	_ =	swait.ge @p0 [sflag:s2], $0xC80  }
0xd4: {  	[sflag:s2] =	ssyncset.done @p0 $0x0  }
0xd5: {  	s5 =	sadd.s32 @p0 $0xE0, s0;
	[sflag:s2] =	ssyncadd.s32 @p0 $0xFFFFF380;
	s2 =	simm.s32 @p0 $0x4E00  }
0xd6: {  	[tilespmem:s2], [sflag:$0x5] =	stream.indirect.gather @p0 [hbm4b:s3+s1], $0x40, s5, s1, $0xb8;
	[tilespmem:$0x8000] =	vst v63  }
0xd7: {  	s2 =	simm.s32 @p0 $0xE  }
0xd8: {  	_ =	swait.ge @p0 [sflag:s2], $0xC80  }
0xd9: {  	[sflag:s2] =	ssyncset.done @p0 $0x0  }
0xda: {  	s5 =	sadd.s32 @p0 $0x118, s0;
	[sflag:s2] =	ssyncadd.s32 @p0 $0xFFFFF380;
	s2 =	simm.s32 @p0 $0x5A80  }
0xdb: {  	[tilespmem:s2], [sflag:$0x6] =	stream.indirect.gather @p0 [hbm4b:s3+s1], $0x40, s5, s1, $0xb8;
	[tilespmem:$0x8000] =	vst v63  }
0xdc: {  	s2 =	simm.s32 @p0 $0xF  }
0xdd: {  	_ =	swait.ge @p0 [sflag:s2], $0xC80  }
0xde: {  	s0 =	sadd.s32 @p0 $0x150, s0;
	[sflag:s2] =	ssyncset.done @p0 $0x0  }
0xdf: {  	s5 =	simm.s32 @p0 $0x10;
	[sflag:s2] =	ssyncadd.s32 @p0 $0xFFFFF380;
	s2 =	simm.s32 @p0 $0x6700  }
0xe0: {  	[tilespmem:s2], [sflag:$0x7] =	stream.indirect.gather @p0 [hbm4b:s3+s1], $0x40, s0, s1, $0xb8;
	[tilespmem:$0x8000] =	vst v63  }
0xe1: {  	_ =	swait.ge @p0 [sflag:s5], $0xC80  }
0xe2: {  	s0 =	simm.s32 @!p0 $0x1C00;
	[sflag:s5] =	ssyncset.done @p0 $0x0  }
0xe3: {  	s1 =	simm.s32 @!p0 $0x32;
	s2 =	simm.s32 @!p0 $0x0;
	[sflag:s5] =	ssyncadd.s32 @p0 $0xFFFFF380  }
0xe4: {  	[tilespmem:s0], [sflag:$0x1] =	stream.indirect.gather @!p0 [hbm4b:s3+s1], $0x40, s2, s1, $0xb8;
	[tilespmem:$0x8000] =	vst v63  }
0xe5: {  	s0 =	simm.s32 @!p0 $0x38;
	s2 =	simm.s32 @!p0 $0x2880  }
0xe6: {  	[tilespmem:s2], [sflag:$0x2] =	stream.indirect.gather @!p0 [hbm4b:s3+s1], $0x40, s0, s1, $0xb8;
	[tilespmem:$0x8000] =	vst v63  }
0xe7: {  	s0 =	simm.s32 @!p0 $0x70;
	s2 =	simm.s32 @!p0 $0x3500  }
0xe8: {  	[tilespmem:s2], [sflag:$0x3] =	stream.indirect.gather @!p0 [hbm4b:s3+s1], $0x40, s0, s1, $0xb8;
	[tilespmem:$0x8000] =	vst v63  }
0xe9: {  	s0 =	simm.s32 @!p0 $0xA8;
	s2 =	simm.s32 @!p0 $0x4180  }
0xea: {  	[tilespmem:s2], [sflag:$0x4] =	stream.indirect.gather @!p0 [hbm4b:s3+s1], $0x40, s0, s1, $0xb8;
	[tilespmem:$0x8000] =	vst v63  }
0xeb: {  	s0 =	simm.s32 @!p0 $0xE0;
	s2 =	simm.s32 @!p0 $0x4E00  }
0xec: {  	[tilespmem:s2], [sflag:$0x5] =	stream.indirect.gather @!p0 [hbm4b:s3+s1], $0x40, s0, s1, $0xb8;
	[tilespmem:$0x8000] =	vst v63  }
0xed: {  	s0 =	simm.s32 @!p0 $0x118;
	s2 =	simm.s32 @!p0 $0x5A80  }
0xee: {  	[tilespmem:s2], [sflag:$0x6] =	stream.indirect.gather @!p0 [hbm4b:s3+s1], $0x40, s0, s1, $0xb8;
	[tilespmem:$0x8000] =	vst v63  }
0xef: {  	s0 =	simm.s32 @!p0 $0x150;
	s2 =	simm.s32 @!p0 $0x6700  }
0xf0: {  	[tilespmem:s2], [sflag:$0x7] =	stream.indirect.gather @!p0 [hbm4b:s3+s1], $0x40, s0, s1, $0xb8;
	[tilespmem:$0x8000] =	vst v63  }
0xf1: {  	s7 =	sadd.s32 $0x188, s30;
	s6 =	rddreg [dreg:$0x9]  }
0xf2: {  	[tilespmem:s8], [sflag:$0x8] =	stream.indirect.gather [hbm4b:s3+s6], $0x40, s7, s6, $0xb8;
	[tilespmem:$0x8000] =	vst v63  }
0xf3: {  	_ =	swait.ge [sflag:s9], $0xC80  }
0xf4: {  	s19 =	rddreg [dreg:$0x8];
	[sflag:s9] =	ssyncset.done $0x0  }
0xf5: {  	s20 =	rddreg [dreg:$0xa];
	[sflag:s9] =	ssyncadd.s32 $0xFFFFF380;
	s0 =	sadd.s32 s29, s19  }
0xf6: {  	[hbm4b:s0+s10] =	stream.strided.scatter [tilespmem:s20], [sflag:$0x9], $0xC80, s11, s10, $0x38;
	[tilespmem:$0x8000] =	vst v63  }
0xf7: {  	_ =	swait.ge [sflag:s12], $0xC80  }
0xf8: {  	[sflag:s12] =	ssyncset.done $0x0  }
0xf9: {  	s0 =	sadd.s32 $0x380, s0;
	s21 =	rddreg [dreg:$0xb];
	[sflag:s12] =	ssyncadd.s32 $0xFFFFF380  }
0xfa: {  	[hbm4b:s0+s10] =	stream.strided.scatter [tilespmem:s21], [sflag:$0xA], $0xC80, s11, s10, $0x38;
	[tilespmem:$0x8000] =	vst v63  }
0xfb: {  	_ =	swait.ge [sflag:s13], $0xC80  }
0xfc: {  	s22 =	rddreg [dreg:$0x7];
	[sflag:s13] =	ssyncset.done $0x0  }
0xfd: {  	s23 =	rddreg [dreg:$0xc];
	[sflag:s13] =	ssyncadd.s32 $0xFFFFF380;
	s0 =	sadd.s32 s29, s22  }
0xfe: {  	[hbm4b:s0+s10] =	stream.strided.scatter [tilespmem:s23], [sflag:$0xB], $0xC80, s11, s10, $0x38;
	[tilespmem:$0x8000] =	vst v63  }
0xff: {  	_ =	swait.ge [sflag:s14], $0xC80  }
0x100: {  	s30 =	rddreg [dreg:$0x6];
	[sflag:s14] =	ssyncset.done $0x0  }
0x101: {  	s31 =	rddreg [dreg:$0xd];
	[sflag:s14] =	ssyncadd.s32 $0xFFFFF380;
	s0 =	sadd.s32 s29, s30  }
0x102: {  	[hbm4b:s0+s10] =	stream.strided.scatter [tilespmem:s31], [sflag:$0xC], $0xC80, s11, s10, $0x38;
	[tilespmem:$0x8000] =	vst v63  }
0x103: {  	_ =	swait.ge [sflag:s15], $0xC80  }
0x104: {  	s1 =	rddreg [dreg:$0x5];
	[sflag:s15] =	ssyncset.done $0x0  }
0x105: {  	s2 =	rddreg [dreg:$0xe];
	[sflag:s15] =	ssyncadd.s32 $0xFFFFF380;
	s0 =	sadd.s32 s29, s1  }
0x106: {  	[hbm4b:s0+s10] =	stream.strided.scatter [tilespmem:s2], [sflag:$0xD], $0xC80, s11, s10, $0x38;
	[tilespmem:$0x8000] =	vst v63  }
0x107: {  	_ =	swait.ge [sflag:s16], $0xC80  }
0x108: {  	s5 =	rddreg [dreg:$0x4];
	[sflag:s16] =	ssyncset.done $0x0  }
0x109: {  	s6 =	rddreg [dreg:$0xf];
	[sflag:s16] =	ssyncadd.s32 $0xFFFFF380;
	s0 =	sadd.s32 s29, s5  }
0x10a: {  	[hbm4b:s0+s10] =	stream.strided.scatter [tilespmem:s6], [sflag:$0xE], $0xC80, s11, s10, $0x38;
	[tilespmem:$0x8000] =	vst v63  }
0x10b: {  	_ =	swait.ge [sflag:s17], $0xC80  }
0x10c: {  	s7 =	rddreg [dreg:$0x3];
	[sflag:s17] =	ssyncset.done $0x0  }
0x10d: {  	s19 =	rddreg [dreg:$0x10];
	[sflag:s17] =	ssyncadd.s32 $0xFFFFF380;
	s0 =	sadd.s32 s29, s7  }
0x10e: {  	[hbm4b:s0+s10] =	stream.strided.scatter [tilespmem:s19], [sflag:$0xF], $0xC80, s11, s10, $0x38;
	[tilespmem:$0x8000] =	vst v63  }
0x10f: {  	_ =	swait.ge [sflag:s18], $0xC80  }
0x110: {  	s20 =	rddreg [dreg:$0x2];
	[sflag:s18] =	ssyncset.done $0x0  }
0x111: {  	s21 =	simm.s32 $0x9;
	s0 =	sadd.s32 s29, s20;
	[sflag:s18] =	ssyncadd.s32 $0xFFFFF380  }
0x112: {  	[hbm4b:s0+s10] =	stream.strided.scatter [tilespmem:s8], [sflag:$0x10], $0xC80, s11, s10, $0x38;
	[tilespmem:$0x8000] =	vst v63  }
0x113: {  	_ =	swait.ge [sflag:s21], $0xC80  }
0x114: {  	[sflag:s21] =	ssyncset.done $0x0  }
0x115: {  	s22 =	simm.s32 $0xA;
	[sflag:s21] =	ssyncadd.s32 $0xFFFFF380  }
0x116: {  	_ =	swait.ge [sflag:s22], $0xC80  }
0x117: {  	[sflag:s22] =	ssyncset.done $0x0  }
0x118: {  	s23 =	simm.s32 $0xB;
	[sflag:s22] =	ssyncadd.s32 $0xFFFFF380  }
0x119: {  	_ =	swait.ge [sflag:s23], $0xC80  }
0x11a: {  	[sflag:s23] =	ssyncset.done $0x0  }
0x11b: {  	s29 =	simm.s32 $0xC;
	[sflag:s23] =	ssyncadd.s32 $0xFFFFF380  }
0x11c: {  	_ =	swait.ge [sflag:s29], $0xC80  }
0x11d: {  	[sflag:s29] =	ssyncset.done $0x0  }
0x11e: {  	s30 =	simm.s32 $0xD;
	[sflag:s29] =	ssyncadd.s32 $0xFFFFF380  }
0x11f: {  	_ =	swait.ge [sflag:s30], $0xC80  }
0x120: {  	[sflag:s30] =	ssyncset.done $0x0  }
0x121: {  	[sflag:s30] =	ssyncadd.s32 $0xFFFFF380  }
0x122: {  	_ =	swait.ge [sflag:s24], $0xC80  }
0x123: {  	[sflag:s24] =	ssyncset.done $0x0  }
0x124: {  	[sflag:s24] =	ssyncadd.s32 $0xFFFFF380  }
0x125: {  	_ =	swait.ge [sflag:s25], $0xC80  }
0x126: {  	[sflag:s25] =	ssyncset.done $0x0  }
0x127: {  	[sflag:s25] =	ssyncadd.s32 $0xFFFFF380  }
0x128: {  	_ =	swait.ge [sflag:s26], $0xC80  }
0x129: {  	s28 =	sadd.s32 $0x1, s28;
	s31 =	rddreg [dreg:$0x12]  }
0x12a: {  	p0 =	sne.s32 s28, s31  }
.Ltmp1:
0x12b: {  	_ = 	snop;
	(pc) =	sbr.rel @p0 .LBB2_1-.Ltmp1, $3  }
0x12c: {  	_ =	sdelay $0x1  }
0x12d: {  	[sflag:s26] =	ssyncset.done $0x0  }
0x12e: {  	[sflag:s26] =	ssyncadd.s32 $0xFFFFF380  }
0x12f: {  	_ =	sfence.sel $0x180000  }
0x130: {  	[bflag:$0x0] =	sbarrier.arrive $0xFFFF  }
0x131: {  	_ =	strace $0x90000047  }
0x132: {  	s0 =	stileid.u32;
	[bflag:$0x2] =	sbarrier.arrive $0xFFFF  }
0x133: {  	p0 =	sne.s32 s0, $0x0;
	s0 =	rddreg [dreg:$0x1]  }
0x134: {  	s0 =	sadd.s32 @!p0 $0x100000, s0  }
0x135: {  	[sflag:s0] =	ssyncadd.tile.s32 @!p0 $0x1;
	_ =	shalt  }
.Lfunc_end2:
_tile_overlayer_lowered:
.L_overlay_start_2:
0x136: {  	(tag) =	ssettag $0x2  }
0x137: {  	s0 =	rddreg [dreg:$0x0];
	s2 =	stileid.u32  }
0x138: {  	s1 =	rddreg [dreg:$0x1];
	p0 =	sne.s32 s2, $0x0  }
0x139: {  	s3 =	rddreg [dreg:$0x2];
	[bflag:$0x3] =	sbarrier.arrive $0xFFFF;
	s2 =	simm.s32 @!p0 $0x1C11  }
0x13a: {  	[timem:s3], [sflag:s2] =	dma.local @!p0 [hbm:s0], s1  }
0x13b: {  	s0 =	simm.s32 @!p0 $0x11  }
0x13c: {  	_ =	swait.ge @!p0 [sflag:s0], s1  }
0x13d: {  	s1 =	ssub.s32 @!p0 $0x0, s1;
	[sflag:s0] =	ssyncset.done @!p0 $0x0  }
0x13e: {  	[sflag:s0] =	ssyncadd.s32 @!p0 s1  }
0x13f: {  	[bflag:$0x3] =	sbarrier.arrive $0xFFFF  }
0x140: {  	_ =	shalt  }

// kernel: sparse-core-data-format-call.cloned.1.call-start
scs
called_computation_lowered:
.L_overlay_start_0:
0x0: {  	s2 =	sld [smem:$0x3FD9]  }
0x1: {  	s3 =	sld [smem:$0x3FFE];
	_ =	sdelay $0x1  }
0x2: {  	s1 =	srdreg.scid  }
0x3: {  	s0 =	sand.u32 $0x1, s1  }
0x4: {  	s18 =	sshll.u32 s0, $0xA;
	s2 =	sadd.s32 s3, s2  }
0x5: {  	s2 =	sadd.s32 s2, s18  }
0x6: {  	[smem:$0x3FC6] =	sst s2  }
0x7: {  	_ = 	snop  }
0x8: {  	s2 =	sld [smem:$0x3FD0];
	(tm) =	ssettm $0x1  }
0x9: {  	s19 =	sld [smem:$0x3FFB];
	_ =	sdelay $0x3  }
0xa: {  	_ =	strace s19  }
0xb: {  	s3 =	sld [smem:$0x3FFC];
	_ =	sdelay $0x3  }
0xc: {  	_ =	strace s3  }
0xd: {  	s3 =	sld [smem:$0x3FFD];
	_ =	sdelay $0x3  }
0xe: {  	_ =	strace s3  }
0xf: {  	_ =	strace $0x8FFFFFFF  }
0x10: {  	s20 =	sld [smem:$0x3FDB];
	_ =	sdelay $0x1  }
0x11: {  	s4 =	simm.s32 $_scs_section_size  }
0x12: {  	s5 =	simm.s32 $_size__tile_overlayer_lowered;
	s6 =	simm.s32 $_tile_overlayer_lowered  }
0x13: {  	s23 =	simm.s32 $0x1BFF;
	s22 =	sshll.u32 s6, $0x1;
	s3 =	sadd.s32 s4, s20  }
0x14: {  	s7 =	simm.s32 $0x0;
	s21 =	sshll.u32 s5, $0x1;
	s5 =	sadd.s32 s22, s3  }
0x15: {  	[timem:s7], [sflag:s23] =	dma.local [hbm:s5], s21  }
0x16: {  	_ =	swait.ge [sflag:s23], s21  }
0x17: {  	s4 =	ssub.s32 $0x0, s21;
	[sflag:s23] =	ssyncset.done $0x0  }
0x18: {  	[sflag:s23] =	ssyncadd.s32 s4;
	_ =	sdelay $0x1  }
0x19: {  	s24 =	simm.s32 $0x1B8B  }
0x1a: {  	_ =	swait.ge [sflag:s24], $0x1  }
0x1b: {  	[sflag:s24] =	ssyncset.done $0x0  }
0x1c: {  	s26 =	simm.s32 $0x1B8E;
	s25 =	sld [smem:$0x3FFE];
	[sflag:s24] =	ssyncadd.s32 $0xFFFFFFFF  }
0x1d: {  	s27 =	simm.s32 $execute0_lowered;
	[smem:$0x3FD2] =	sst s26  }
0x1e: {  	s5 =	sshll.u32 s27, $0x1;
	_ =	strace $0x80000049;
	[dreg:$0x1] =	wrdreg $0xFFFFFFFF  }
0x1f: {  	s28 =	simm.s32 $_size_execute0_lowered;
	s3 =	sadd.s32 s3, s5;
	[dreg:$0x0] =	wrdreg $0x0  }
0x20: {  	s5 =	sshll.u32 s28, $0x1;
	[dreg:$0x2] =	wrdreg s3  }
0x21: {  	[dreg:$0x3] =	wrdreg s5  }
0x22: {  	[dreg:$0x4] =	wrdreg $0xC0  }
0x23: {  	_ =	task [dreg:s7], $0x5FFFF  }
0x24: {  	[dreg:$0x1] =	wrdreg $0xFFFFFFFF  }
0x25: {  	[dreg:$0x0] =	wrdreg $0x60  }
0x26: {  	[dreg:$0x2] =	wrdreg s25  }
0x27: {  	[dreg:$0x3] =	wrdreg s2  }
0x28: {  	[dreg:$0x4] =	wrdreg $0x9  }
0x29: {  	_ =	task.clear_ibuf [dreg:s7], $0x5FFFF;
	_ =	strace $0x90000049  }
0x2a: {  	s29 =	simm.s32 $0x9;
	_ =	strace $0x8000004B  }
0x2b: {  	_ =	swait.ge [sflag:s29], $0x1  }
0x2c: {  	[sflag:s29] =	ssyncadd.s32 $0xFFFFFFFF  }
0x2d: {  	_ =	strace $0x9000004B  }
0x2e: {  	_ =	sfence  }
0x2f: {  	s30 =	sld [smem:$0x0];
	_ =	sdelay $0x2  }
0x30: {  	s31 =	sshll.u32 s1, $0xD;
	s1 =	sshrl.u32 s1, $0x2  }
0x31: {  	s3 =	sand.u32 $0x4000, s31;
	s1 =	sadd.s32 s1, s30  }
0x32: {  	s0 =	sor.u32 s3, s0;
	s1 =	sshll.u32 s1, $0x11  }
0x33: {  	s0 =	sor.u32 s1, s0  }
0x34: {  	s0 =	sadd.s32 $0x8F2B, s0  }
0x35: {  	[sflag:s0] =	ssyncadd.remote.s32 $0x1  }
0x36: {  	_ =	sfence.sel $0xFFFF  }
0x37: {  	[dreg:$0x0] =	wrdreg $0xFFFFFFFF;
	(pc) =	sbr.abs _section_cstart, $3  }
0x38: {  	[dreg:$0x1] =	wrdreg $0xFFFFFFFF  }
0x39: {  	_ =	task.clear_ibuf [dreg:s7], $0x2FFFF;
	_ =	strace $0x9FFFFFFF  }
0x3a: {  	(tm) =	ssettm $0x7FFFFFFF  }
0x3b: {  	_ =	shalt  }
tec
execute0_lowered:
.L_overlay_start_1:
0x0: {  	(tag) =	ssettag $0x1  }
0x1: {  	s0 =	srdreg.scid  }
0x2: {  	s1 =	sshll.u32 s0, $0x4  }
0x3: {  	s0 =	stileid.u32;
	s1 =	sand.u32 $0x10, s1  }
0x4: {  	s1 =	sor.u32 s0, s1  }
0x5: {  	s6 =	rddreg [dreg:$0x0];
	s4 =	simm.s32 $0x1;
	s2 =	sshll.u32 s1, $0x7  }
0x6: {  	s7 =	simm.s32 $0x2;
	s12 =	simm.s32 $0x0;
	s1 =	ssub.s32 $0x1000, s2  }
0x7: {  	s8 =	simm.s32 $0x8000;
	s13 =	simm.s32 $0x0;
	s3 =	sand.u32 $0xF80, s1  }
0x8: {  	s9 =	simm.s32 $0x0;
	s5 =	sshrl.u32 s1, $0xC;
	p0 =	sne.s32 s3, $0x0  }
.Ltmp0:
0x9: {  	s1 =	rddreg [dreg:$0x2];
	s4 =	simm.s32 @!p0 $0x0;
	(pc) =	sbr.rel .LBB1_1-.Ltmp0, $4  }
0xa: {  	s11 =	simm.s32 $0x0;
	s3 =	rddreg [dreg:$0x1];
	s5 =	sadd.s32 s4, s5  }
0xb: {  	_ =	strace $0x8000004A;
	s4 =	simm.s32 $0x1;
	s5 =	smul.u32 $0x32, s5  }
0xc: {  	s6 =	sadd.s32 $0xCAE00, s6;
	s10 =	smov.u32 s2;
	[sflag:s4] =	ssyncpa.u1 $0x0  }
0xd: {  	p0 =	por $0x0, $0x0;
	[sflag:s7] =	ssyncpa.u1 $0x0;
	s7 =	sor.u32 $0x1, s5  }
.LBB1_4:
0xe: {  	s16 =	sshll.u32 s13, $0x3;
	s17 =	sand.u32 $0x78, s13  }
0xf: {  	s30 =	sand.u32 $0x7E00, s13;
	s12 =	sshll.u32 s12, $0xF;
	s16 =	sand.u32 $0xC00, s16  }
0x10: {  	[tilespmem:s15+$0x810 ss:$0x81] =	vst.msk $0xffff, v2;
	s31 =	sand.u32 $0x7, s13;
	s16 =	sor.u32 s17, s16;
	s17 =	sadd.s32 s3, s30  }
0x11: {  	[tilespmem:s15+$0x1020 ss:$0x81] =	vst.msk $0xffff, v0;
	s13 =	sshll.u32 s31, $0x12;
	s12 =	sadd.s32 s12, s17;
	s16 =	sshrl.u32 s16, $0x3  }
0x12: {  	[tilespmem:s15+$0x0 ss:$0x81] =	vst.msk $0xffff, v1;
	s13 =	sor.u32 $0x400, s13;
	s12 =	sadd.s32 s16, s12  }
0x13: {  	[hbm4b:s12+s13] =	stream.strided.scatter [tilespmem:s14], [sflag:$0x2], $0x2000, s8, s13, $0x20;
	[tilespmem:$0x8080] =	vst v63  }
.LBB1_5:
0x14: {  	s14 =	sadd.s32 $0x1, s9  }
0x15: {  	s12 =	sadd.s32 $0x1000, s10;
	s16 =	smov.u32 s10;
	p2 =	sgt.s32 s14, $0x31  }
0x16: {  	s16 =	smov.u32 @p2 s12  }
0x17: {  	s14 =	simm.s32 @p2 $0x0;
	p2 =	sgt.s32 s16, $0xFFF  }
0x18: {  	s16 =	smov.u32 @p2 s2;
	p2 =	sne.s32 s11, s7  }
.Ltmp1:
0x19: {  	p1 =	slt.u32 s11, $0x2;
	(pc) =	sbr.rel @!p2 .LBB1_6-.Ltmp1, $4  }
0x1a: {  	s15 =	simm.s32 @!p1 $0x2  }
0x1b: {  	s13 =	smov.u32 s10;
	p0 =	por !p0, !p0;
	_ =	swait.ge @!p1 [sflag:s15], $0x2000  }
0x1c: {  	s12 =	smov.u32 s9;
	[sflag:s15] =	ssyncset.done @!p1 $0x0;
	s9 =	smov.u32 s14  }
0x1d: {  	s11 =	sadd.s32 $0x1, s11;
	[sflag:s15] =	ssyncadd.s32 @!p1 $0xFFFFE000;
	s10 =	smov.u32 s16  }
.LBB1_1:
0x1e: {  	p1 =	sge.u32 s11, s5  }
0x1f: {  	s14 =	sand.u32 @!p1 $0x1FFFFFF, s9  }
0x20: {  	s15 =	smulhi.u32 @!p1 $0x4924925, s14;
	_ =	sdelay $0x1  }
0x21: {  	s15 =	smul.u32 @!p1 $0x38, s15  }
0x22: {  	s16 =	sxor.u32 @!p1 $0xFFFFFFFF, s11;
	s17 =	smul.u32 @!p1 $0x380, s10  }
0x23: {  	s31 =	sadd.s32 $0xFFFFFFFF, s11;
	s16 =	sshll.u32 @!p1 s16, $0xD;
	s14 =	ssub.s32 @!p1 s14, s15  }
0x24: {  	s15 =	sand.u32 @!p1 $0x2000, s16;
	s16 =	sadd.s32 @!p1 s6, s17;
	s14 =	sshll.u32 @!p1 s14, $0x4  }
0x25: {  	s17 =	simm.s32 @!p1 $0x1C00;
	s14 =	sadd.s32 @!p1 s14, s16;
	s16 =	simm.s32 @!p1 $0x40  }
0x26: {  	[tilespmem:s15], [sflag:$0x1] =	stream.strided.gather @!p1 [hbm4b:s14+s16], $0x2000, s17, s16, $0x38;
	[tilespmem:$0x8080] =	vst v63  }
0x27: {  	p1 =	sge.u32 s31, s5  }
.Ltmp2:
0x28: {  	_ = 	snop;
	(pc) =	sbr.rel @p1 .LBB1_5-.Ltmp2, $1  }
0x29: {  	_ =	sdelay $0x3  }
0x2a: {  	s14 =	simm.s32 $0x1  }
0x2b: {  	_ =	swait.ge [sflag:s4], $0x2000;
	s14 =	simm.s32 @!p0 $0x0  }
0x2c: {  	[sflag:s4] =	ssyncset.done $0x0;
	s15 =	sshll.u32 s14, $0xD  }
0x2d: {  	[sflag:s4] =	ssyncadd.s32 $0xFFFFE000;
	s18 =	sor.u32 $0x20, s15  }
0x2e: {  	s14 =	smul.u32 $0x8100, s14;
	v3 =	vld [tilespmem:s18+$0x10]  }
0x2f: {  	s30 =	sand.u32 $0x1, s11;
	v2 =	vld [tilespmem:s18+$0xFFFFFFF0]  }
0x30: {  	s15 =	smul.u32 $0x8100, s30;
	s14 =	sshrl.u32 s14, $0x2;
	v0 =	vld [tilespmem:s18+$0x0]  }
0x31: {  	v1 =	vld [tilespmem:s18+$0xFFFFFFE0];
	s16 =	sor.u32 $0x4000, s14  }
0x32: {  	s31 =	sshrl.u32 s15, $0x2;
	s15 =	sadd.s32 $0x0, s16  }
0x33: {  	s17 =	simm.s32 $0x4;
	s18 =	sadd.s32 $0x40, s18;
	s14 =	sor.u32 $0x4000, s31;
	[tilespmem:s15+$0x1830 ss:$0x81] =	vst.msk $0xffff, v3  }
.LBB1_3:
0x34: {  	v3 =	vld [tilespmem:s18+$0x10];
	p1 =	sne.s32 s17, $0x1FC;
	[tilespmem:s15+$0x810 ss:$0x81] =	vst.msk $0xffff, v2;
	s19 =	smov.u32 s17;
	s17 =	sadd.s32 $0x4, s17  }
.Ltmp3:
0x35: {  	v2 =	vld [tilespmem:s18+$0xFFFFFFF0];
	[tilespmem:s15+$0x1020 ss:$0x81] =	vst.msk $0xffff, v0;
	(pc) =	sbr.rel @p1 .LBB1_3-.Ltmp3, $4  }
0x36: {  	v0 =	vld [tilespmem:s18+$0x0];
	[tilespmem:s15+$0x0 ss:$0x81] =	vst.msk $0xffff, v1  }
0x37: {  	s15 =	sshra.s32 s19, $0x2;
	v1 =	vld [tilespmem:s18+$0xFFFFFFE0]  }
0x38: {  	s15 =	sadd.s32 s15, s16  }
0x39: {  	s18 =	sadd.s32 $0x40, s18;
	[tilespmem:s15+$0x1830 ss:$0x81] =	vst.msk $0xffff, v3  }
.Ltmp4:
0x3a: {  	_ = 	snop;
	(pc) =	sbr.rel .LBB1_4-.Ltmp4, $1  }
0x3b: {  	_ =	sdelay $0x3  }
.LBB1_6:
0x3c: {  	_ =	sfence.sel $0x180000  }
0x3d: {  	s2 =	simm.s32 $0x1;
	[bflag:$0x0] =	sbarrier.arrive $0xFFFF  }
0x3e: {  	s31 =	simm.s32 $0x2;
	[sflag:s2] =	ssyncpa.u1 $0x1  }
0x3f: {  	[sflag:s31] =	ssyncpa.u1 $0x1  }
0x40: {  	p0 =	sne.s32 s0, $0x0;
	_ =	strace $0x9000004A  }
0x41: {  	s0 =	sadd.s32 @!p0 $0x100000, s1;
	[bflag:$0x2] =	sbarrier.arrive $0xFFFF  }
0x42: {  	[sflag:s0] =	ssyncadd.tile.s32 @!p0 $0x1;
	_ =	shalt  }
.Lfunc_end1:
_tile_overlayer_lowered:
.L_overlay_start_2:
0x43: {  	(tag) =	ssettag $0x2  }
0x44: {  	s0 =	rddreg [dreg:$0x0];
	s2 =	stileid.u32  }
0x45: {  	s1 =	rddreg [dreg:$0x1];
	p0 =	sne.s32 s2, $0x0  }
0x46: {  	s3 =	rddreg [dreg:$0x2];
	[bflag:$0x3] =	sbarrier.arrive $0xFFFF;
	s2 =	simm.s32 @!p0 $0x1C01  }
0x47: {  	[timem:s3], [sflag:s2] =	dma.local @!p0 [hbm:s0], s1  }
0x48: {  	s0 =	simm.s32 @!p0 $0x1  }
0x49: {  	_ =	swait.ge @!p0 [sflag:s0], s1  }
0x4a: {  	s1 =	ssub.s32 @!p0 $0x0, s1;
	[sflag:s0] =	ssyncset.done @!p0 $0x0  }
0x4b: {  	[sflag:s0] =	ssyncadd.s32 @!p0 s1  }
0x4c: {  	[bflag:$0x3] =	sbarrier.arrive $0xFFFF  }
0x4d: {  	_ =	shalt  }

</sc_bundles>
